<compile_context>
chip_gen: v7x
topology: tpu7x:2x2x1
jax: 0.10.2.dev20260603
libtpu: 0.0.44.dev20260713+nightly
codegen_flags: <defaults>
</compile_context>

<pallas_src>
import functools

import jax
import jax.numpy as jnp
from jax import lax
from jax.experimental import pallas as pl
from jax.experimental.pallas import tpu as pltpu
from jax.experimental.pallas import tpu_sc as plsc

_BINS = 64
_EPS = 1e-08
_NC, _NS, _L = 2, 16, 16
_NW = _NC * _NS
_W = 512
_R = 64
_PIECES = 512 // _R
_U = 16
_ACC = 4 * _BINS * _L


def _sc_hist_body(gen_hbm, tgt_hbm, out_hbm, buf0, buf1, acc, accr, sem0, sem1):
    w = lax.axis_index("s") * _NC + lax.axis_index("c")

    zeros = jnp.zeros((_L,), jnp.float32)

    def zero_body(i, _):
        acc[pl.ds(i * _L, _L)] = zeros
        return 0

    lax.fori_loop(0, _ACC // _L, zero_body, 0)

    lane = lax.iota(jnp.int32, _L)
    ones = jnp.ones((_L,), jnp.float32)

    def compute_piece(buf, off_vec):
        @plsc.parallel_loop(0, _R * _W // _L, unroll=_U)
        def _(vi):
            r = vi >> 5
            c = (vi & 31) * _L
            v = buf[r, pl.ds(c, _L)]
            y = v * 0.5 + 1.5
            y = jnp.minimum(jnp.maximum(y, 1.0), 1.9990234375)
            bits = plsc.bitcast(y, jnp.int32)
            b16 = jnp.bitwise_and(
                lax.shift_right_logical(bits, 13), (_BINS - 1) * _L)
            plsc.addupdate_scatter(acc, [b16 + off_vec], ones)

    npc = 2 * _PIECES

    def gen_piece(p):
        return gen_hbm.at[w, 1 + (p >> 3), pl.ds((p & 7) * _R, _R), :]

    def tgt_piece(p):
        return tgt_hbm.at[w, 1 + (p >> 3), pl.ds((p & 7) * _R, _R), :]

    def off_for(p, hbase):
        return lane + (hbase + (p >> 3)) * _BINS * _L

    pltpu.async_copy(gen_piece(0), buf0, sem0)

    def pair_body(j, _):
        pltpu.async_copy(tgt_piece(j), buf1, sem1)
        pltpu.make_async_copy(gen_piece(0), buf0, sem0).wait()
        compute_piece(buf0, off_for(j, 0))

        @pl.when(j < npc - 1)
        def _():
            pltpu.async_copy(gen_piece(j + 1), buf0, sem0)

        pltpu.make_async_copy(tgt_piece(0), buf1, sem1).wait()
        compute_piece(buf1, off_for(j, 2))
        return 0

    lax.fori_loop(0, npc, pair_body, 0)

    iota16 = lane * _L

    def red_body(g, _):
        base = g * (_L * _L)
        s = jnp.zeros((_L,), jnp.float32)
        for l in range(_L):
            s = s + plsc.load_gather(acc, [base + iota16 + l])
        accr[pl.ds(g * _L, _L)] = s
        return 0

    lax.fori_loop(0, 4 * _BINS // _L, red_body, 0)

    pltpu.sync_copy(accr, out_hbm.at[w])


@functools.lru_cache(maxsize=None)
def _build_sc_hist():
    mesh = plsc.VectorSubcoreMesh(
        core_axis_name="c", subcore_axis_name="s",
        num_cores=_NC, num_subcores=_NS)
    return pl.kernel(
        _sc_hist_body,
        out_type=jax.ShapeDtypeStruct((_NW, 4 * _BINS), jnp.float32),
        mesh=mesh,
        scratch_types=[
            pltpu.VMEM((_R, _W), jnp.float32),
            pltpu.VMEM((_R, _W), jnp.float32),
            pltpu.VMEM((_ACC,), jnp.float32),
            pltpu.VMEM((4 * _BINS,), jnp.float32),
            pltpu.SemaphoreType.DMA,
            pltpu.SemaphoreType.DMA,
        ],
        compiler_params=pltpu.CompilerParams(needs_layout_passes=False),
    )


def _finalize_body(x_ref, o_ref):
    x = x_ref[...]
    s = jnp.sum(x, axis=0, keepdims=True)

    def _norm(hh):
        hh = hh + _EPS
        return hh / jnp.sum(hh)

    g1 = _norm(s[:, 0:_BINS])
    g2 = _norm(s[:, _BINS:2 * _BINS])
    t1 = _norm(s[:, 2 * _BINS:3 * _BINS])
    t2 = _norm(s[:, 3 * _BINS:4 * _BINS])
    kl = (jnp.sum(t1 * (jnp.log(t1) - jnp.log(g1 + _EPS)))
          + jnp.sum(t2 * (jnp.log(t2) - jnp.log(g2 + _EPS))))
    o_ref[0, 0] = kl / (2 * _BINS)


def kernel(generated, target):
    parts = _build_sc_hist()(generated, target)
    out = pl.pallas_call(
        _finalize_body,
        out_shape=jax.ShapeDtypeStruct((1, 1), jnp.float32),
        out_specs=pl.BlockSpec(memory_space=pltpu.SMEM),
    )(parts)
    return out.reshape(())

# --- scband reference (transcript-rebuilt; emitter-appended) ---
"""Pipeline reference for scband-color-histogram-loss-46789373723078 (READ-ONLY COPY).

The authoritative reference and input builder live on the scoring server;
editing this copy changes nothing except your own understanding.
"""

import jax, jax.numpy as jnp
import numpy as np

BINS = 64
EPS = 1e-08


def _get_histogram(x, bins=BINS, eps=EPS):
    # x: [B, C, H, W] in [-1, 1]
    x = (x + 1.0) / 2.0
    x = jnp.clip(x, 0.0, 1.0)
    hists = []
    for i in range(1, 3):
        v = x[:, i].reshape(-1)
        # torch.histc(min=0, max=1): bin = floor(v * bins), value==1 falls in last bin
        idx = jnp.clip(jnp.floor(v * bins).astype(jnp.int32), 0, bins - 1)
        hist = jnp.zeros((bins,), dtype=v.dtype).at[idx].add(1.0)
        hist = hist + eps
        hist = hist / hist.sum()
        hists.append(hist)
    return jnp.concatenate(hists)  # [2*bins]


def setup_inputs(seed: int = 0) -> dict:
    key = jax.random.key(seed)
    k1, k2 = jax.random.split(key)
    generated = jax.random.normal(k1, (32, 3, 512, 512), dtype=jnp.float32)
    target = jax.random.normal(k2, (32, 3, 512, 512), dtype=jnp.float32)
    return {"generated": generated, "target": target}


def reference(generated, target):
    gen_hist = _get_histogram(generated)
    target_hist = _get_histogram(target)
    log_input = jnp.log(gen_hist + EPS)
    # F.kl_div(input_log, target, reduction='batchmean'):
    # sum(target * (log(target) - input_log)) / input.shape[0]
    pointwise = target_hist * (jnp.log(target_hist) - log_input)
    n = gen_hist.shape[0]
    return jnp.sum(pointwise) / n

if __name__ == "__main__":
    import jax
    _d = setup_inputs()
    print(jax.jit(kernel)(*tuple(_d.values())))

</pallas_src>

<mosaic_0001>
#map = affine_map<(d0, d1) -> (0, 0, 0, 0)>
#map1 = affine_map<(d0, d1) -> (0, 0)>
module attributes {stable_mosaic.version = 14 : i64} {
  func.func @_sc_hist_body(%arg0: i32, %arg1: i32, %arg2: memref<32x3x512x512xf32, #tpu.memory_space<hbm>>, %arg3: memref<32x3x512x512xf32, #tpu.memory_space<hbm>>, %arg4: memref<32x256xf32, #tpu.memory_space<hbm>>, %arg5: memref<64x512xf32, #tpu.memory_space<vmem>>, %arg6: memref<64x512xf32, #tpu.memory_space<vmem>>, %arg7: memref<4096xf32, #tpu.memory_space<vmem>>, %arg8: memref<256xf32, #tpu.memory_space<vmem>>, %arg9: memref<!tpu.dma_semaphore, #tpu.memory_space<semaphore_mem>>, %arg10: memref<!tpu.dma_semaphore, #tpu.memory_space<semaphore_mem>>) attributes {dimension_semantics = [#tpu.dimension_semantics<core_parallel>, #tpu.dimension_semantics<subcore_parallel>], iteration_bounds = array<i64: 2, 16>, scalar_prefetch = 0 : i64, scratch_operands = 6 : i64, tpu.core_type = #tpu.core_type<sc_vector_subcore>, window_params = [{transform_indices = #map}, {transform_indices = #map}, {transform_indices = #map1}]} {
    %mul3A = arith.constant 2 : i32
    %mul3A_0 = arith.muli %arg1, %mul3A : i32
    %add3A = arith.addi %mul3A_0, %arg0 : i32
    %broadcast_in_dim3A = arith.constant 0.000000e+00 : f32
    %broadcast_in_dim3A_1 = vector.broadcast %broadcast_in_dim3A : f32 to vector<16xf32>
    %scan3A = arith.constant 0 : i32
    %scan3A_2 = arith.constant 0 : i32
    %scan3A_3 = arith.constant 256 : i32
    %scan3A_4 = arith.addi %scan3A_2, %scan3A_3 : i32
    %scan3A_5 = arith.constant 1 : i32
    %scan3A_6 = scf.for %scan3A_35 = %scan3A_2 to %scan3A_4 step %scan3A_5 iter_args(%scan3A_36 = %scan3A) -> (i32)  : i32 {
      %mul3A_37 = arith.constant 16 : i32
      %mul3A_38 = arith.muli %scan3A_35, %mul3A_37 : i32
      %swap3A = arith.index_cast %mul3A_38 : i32 to index
      %swap3A_39 = tpu.vector_load %arg7[%swap3A] {strides = array<i32>} : memref<4096xf32, #tpu.memory_space<vmem>>, vector<16xf32>,
      tpu.vector_store %arg7[%swap3A], %broadcast_in_dim3A_1 {strides = array<i32>} : memref<4096xf32, #tpu.memory_space<vmem>>, vector<16xf32>,
      %scan3A_40 = arith.constant 0 : i32
      scf.yield %scan3A_40 : i32
    }
    %scan3A_7 = arith.constant 256 : i32
    %iota3A = tpu.iota {dimensions = array<i32: 0>} : vector<16xi32>
    %broadcast_in_dim3A_8 = arith.constant 1.000000e+00 : f32
    %broadcast_in_dim3A_9 = vector.broadcast %broadcast_in_dim3A_8 : f32 to vector<16xf32>
    %dma_start3A = arith.constant 1 : i32
    %dma_start3A_10 = arith.constant 0 : i32
    %dma_start3A_11 = arith.constant 0 : i32
    %dma_start3A_12 = tpu.memref_slice %arg2[%add3A, %dma_start3A, %dma_start3A_10, %dma_start3A_11] : memref<32x3x512x512xf32, #tpu.memory_space<hbm>> -> memref<1x1x64x512xf32, #tpu.memory_space<hbm>>
    %dma_start3A_13 = tpu.memref_squeeze %dma_start3A_12 : memref<1x1x64x512xf32, #tpu.memory_space<hbm>> -> memref<64x512xf32, #tpu.memory_space<hbm>>
    %dma_start3A_14 = arith.constant 0 : i32
    %dma_start3A_15 = arith.constant 0 : i32
    %dma_start3A_16 = tpu.memref_slice %arg2[%add3A, %dma_start3A, %dma_start3A_14, %dma_start3A_15] : memref<32x3x512x512xf32, #tpu.memory_space<hbm>> -> memref<1x1x64x512xf32, #tpu.memory_space<hbm>>
    %dma_start3A_17 = tpu.memref_squeeze %dma_start3A_16 : memref<1x1x64x512xf32, #tpu.memory_space<hbm>> -> memref<64x512xf32, #tpu.memory_space<hbm>>
    tpu.enqueue_dma source(%dma_start3A_17 : memref<64x512xf32, #tpu.memory_space<hbm>>) target(%arg5 : memref<64x512xf32, #tpu.memory_space<vmem>>) target_semaphore(%arg9 : memref<!tpu.dma_semaphore, #tpu.memory_space<semaphore_mem>>)
    %scan3A_18 = arith.constant 0 : i32
    %scan3A_19 = arith.constant 0 : i32
    %scan3A_20 = arith.constant 16 : i32
    %scan3A_21 = arith.addi %scan3A_19, %scan3A_20 : i32
    %scan3A_22 = arith.constant 1 : i32
    %scan3A_23 = scf.for %scan3A_35 = %scan3A_19 to %scan3A_21 step %scan3A_22 iter_args(%scan3A_36 = %scan3A_18) -> (i32)  : i32 {
      %shift_right_arithmetic3A = arith.constant 3 : i32
      %shift_right_arithmetic3A_37 = arith.shrsi %scan3A_35, %shift_right_arithmetic3A : i32
      %add3A_38 = arith.constant 1 : i32
      %add3A_39 = arith.addi %add3A_38, %shift_right_arithmetic3A_37 : i32
      %and3A = arith.constant 7 : i32
      %and3A_40 = arith.andi %scan3A_35, %and3A : i32
      %mul3A_41 = arith.constant 64 : i32
      %mul3A_42 = arith.muli %and3A_40, %mul3A_41 : i32
      %dma_start3A_43 = arith.constant 0 : i32
      %dma_start3A_44 = tpu.memref_slice %arg3[%add3A, %add3A_39, %mul3A_42, %dma_start3A_43] : memref<32x3x512x512xf32, #tpu.memory_space<hbm>> -> memref<1x1x64x512xf32, #tpu.memory_space<hbm>>
      %dma_start3A_45 = tpu.memref_squeeze %dma_start3A_44 : memref<1x1x64x512xf32, #tpu.memory_space<hbm>> -> memref<64x512xf32, #tpu.memory_space<hbm>>
      %dma_start3A_46 = arith.constant 0 : i32
      %dma_start3A_47 = tpu.memref_slice %arg3[%add3A, %add3A_39, %mul3A_42, %dma_start3A_46] : memref<32x3x512x512xf32, #tpu.memory_space<hbm>> -> memref<1x1x64x512xf32, #tpu.memory_space<hbm>>
      %dma_start3A_48 = tpu.memref_squeeze %dma_start3A_47 : memref<1x1x64x512xf32, #tpu.memory_space<hbm>> -> memref<64x512xf32, #tpu.memory_space<hbm>>
      tpu.enqueue_dma source(%dma_start3A_48 : memref<64x512xf32, #tpu.memory_space<hbm>>) target(%arg6 : memref<64x512xf32, #tpu.memory_space<vmem>>) target_semaphore(%arg10 : memref<!tpu.dma_semaphore, #tpu.memory_space<semaphore_mem>>)
      %dma_wait3A = arith.constant 1 : i32
      %dma_wait3A_49 = arith.constant 0 : i32
      %dma_wait3A_50 = arith.constant 0 : i32
      %dma_wait3A_51 = tpu.memref_slice %arg2[%add3A, %dma_wait3A, %dma_wait3A_49, %dma_wait3A_50] : memref<32x3x512x512xf32, #tpu.memory_space<hbm>> -> memref<1x1x64x512xf32, #tpu.memory_space<hbm>>
      %dma_wait3A_52 = tpu.memref_squeeze %dma_wait3A_51 : memref<1x1x64x512xf32, #tpu.memory_space<hbm>> -> memref<64x512xf32, #tpu.memory_space<hbm>>
      %dma_wait3A_53 = arith.constant 0 : i32
      %dma_wait3A_54 = arith.constant 0 : i32
      %dma_wait3A_55 = tpu.memref_slice %arg2[%add3A, %dma_wait3A, %dma_wait3A_53, %dma_wait3A_54] : memref<32x3x512x512xf32, #tpu.memory_space<hbm>> -> memref<1x1x64x512xf32, #tpu.memory_space<hbm>>
      %dma_wait3A_56 = tpu.memref_squeeze %dma_wait3A_55 : memref<1x1x64x512xf32, #tpu.memory_space<hbm>> -> memref<64x512xf32, #tpu.memory_space<hbm>>
      tpu.wait_dma2 semaphore(%arg9 : memref<!tpu.dma_semaphore, #tpu.memory_space<semaphore_mem>>) src(%dma_wait3A_56 : memref<64x512xf32, #tpu.memory_space<hbm>>) dst(%arg5 : memref<64x512xf32, #tpu.memory_space<vmem>>)
      %shift_right_arithmetic3A_57 = arith.constant 3 : i32
      %shift_right_arithmetic3A_58 = arith.shrsi %scan3A_35, %shift_right_arithmetic3A_57 : i32
      %add3A_59 = arith.constant 0 : i32
      %add3A_60 = arith.addi %add3A_59, %shift_right_arithmetic3A_58 : i32
      %mul3A_61 = arith.constant 64 : i32
      %mul3A_62 = arith.muli %add3A_60, %mul3A_61 : i32
      %mul3A_63 = arith.constant 16 : i32
      %mul3A_64 = arith.muli %mul3A_62, %mul3A_63 : i32
      %add3A_65 = vector.broadcast %mul3A_64 : i32 to vector<16xi32>
      %add3A_66 = arith.addi %iota3A, %add3A_65 : vector<16xi32>
      %parallel_loop3A = arith.constant 0 : i32
      %parallel_loop3A_67 = arith.constant 2048 : i32
      %parallel_loop3A_68 = arith.constant 1 : i32
      scf.for %parallel_loop3A_94 = %parallel_loop3A to %parallel_loop3A_67 step %parallel_loop3A_68  : i32 {
        %parallel_loop3A_95 = arith.constant 5 : i32
        %parallel_loop3A_96 = arith.shrsi %parallel_loop3A_94, %parallel_loop3A_95 : i32
        %parallel_loop3A_97 = arith.constant 31 : i32
        %parallel_loop3A_98 = arith.andi %parallel_loop3A_94, %parallel_loop3A_97 : i32
        %parallel_loop3A_99 = arith.constant 16 : i32
        %parallel_loop3A_100 = arith.muli %parallel_loop3A_98, %parallel_loop3A_99 : i32
        %parallel_loop3A_101 = arith.index_cast %parallel_loop3A_96 : i32 to index
        %parallel_loop3A_102 = arith.index_cast %parallel_loop3A_100 : i32 to index
        %parallel_loop3A_103 = tpu.vector_load %arg5[%parallel_loop3A_101, %parallel_loop3A_102] {strides = array<i32>} : memref<64x512xf32, #tpu.memory_space<vmem>>, vector<16xf32>,
        %parallel_loop3A_104 = arith.constant 5.000000e-01 : f32
        %parallel_loop3A_105 = vector.broadcast %parallel_loop3A_104 : f32 to vector<16xf32>
        %parallel_loop3A_106 = arith.mulf %parallel_loop3A_103, %parallel_loop3A_105 : vector<16xf32>
        %parallel_loop3A_107 = arith.constant 1.500000e+00 : f32
        %parallel_loop3A_108 = vector.broadcast %parallel_loop3A_107 : f32 to vector<16xf32>
        %parallel_loop3A_109 = arith.addf %parallel_loop3A_106, %parallel_loop3A_108 : vector<16xf32>
        %parallel_loop3A_110 = arith.constant 1.000000e+00 : f32
        %parallel_loop3A_111 = vector.broadcast %parallel_loop3A_110 : f32 to vector<16xf32>
        %parallel_loop3A_112 = arith.maximumf %parallel_loop3A_109, %parallel_loop3A_111 : vector<16xf32>
        %parallel_loop3A_113 = arith.constant 1.99902344 : f32
        %parallel_loop3A_114 = vector.broadcast %parallel_loop3A_113 : f32 to vector<16xf32>
        %parallel_loop3A_115 = arith.minimumf %parallel_loop3A_112, %parallel_loop3A_114 : vector<16xf32>
        %parallel_loop3A_116 = vector.bitcast %parallel_loop3A_115 : vector<16xf32> to vector<16xi32>
        %parallel_loop3A_117 = arith.constant 13 : i32
        %parallel_loop3A_118 = vector.broadcast %parallel_loop3A_117 : i32 to vector<16xi32>
        %parallel_loop3A_119 = arith.shrui %parallel_loop3A_116, %parallel_loop3A_118 : vector<16xi32>
        %parallel_loop3A_120 = arith.constant 1008 : i32
        %parallel_loop3A_121 = vector.broadcast %parallel_loop3A_120 : i32 to vector<16xi32>
        %parallel_loop3A_122 = arith.andi %parallel_loop3A_119, %parallel_loop3A_121 : vector<16xi32>
        %parallel_loop3A_123 = arith.addi %parallel_loop3A_122, %add3A_66 : vector<16xi32>
        tpu.vector_store_idx %arg7[%parallel_loop3A_123], %broadcast_in_dim3A_9 {add = true} : memref<4096xf32, #tpu.memory_space<vmem>>[vector<16xi32>], vector<16xf32>,
      } {sc.loop_unroll_factor = 16 : i64, sc.parallel_access}
      %lt3A = arith.constant 15 : i32
      %lt3A_69 = arith.cmpi slt, %scan3A_35, %lt3A : i32
      %convert_element_type3A = arith.extui %lt3A_69 : i1 to i32
      %cond3A = arith.constant 0 : i32
      %cond3A_70 = arith.cmpi ne, %convert_element_type3A, %cond3A : i32
      scf.if %cond3A_70 {
        %add3A_94 = arith.constant 1 : i32
        %add3A_95 = arith.addi %scan3A_35, %add3A_94 : i32
        %shift_right_arithmetic3A_96 = arith.constant 3 : i32
        %shift_right_arithmetic3A_97 = arith.shrsi %add3A_95, %shift_right_arithmetic3A_96 : i32
        %add3A_98 = arith.constant 1 : i32
        %add3A_99 = arith.addi %add3A_98, %shift_right_arithmetic3A_97 : i32
        %and3A_100 = arith.constant 7 : i32
        %and3A_101 = arith.andi %add3A_95, %and3A_100 : i32
        %mul3A_102 = arith.constant 64 : i32
        %mul3A_103 = arith.muli %and3A_101, %mul3A_102 : i32
        %dma_start3A_104 = arith.constant 0 : i32
        %dma_start3A_105 = tpu.memref_slice %arg2[%add3A, %add3A_99, %mul3A_103, %dma_start3A_104] : memref<32x3x512x512xf32, #tpu.memory_space<hbm>> -> memref<1x1x64x512xf32, #tpu.memory_space<hbm>>
        %dma_start3A_106 = tpu.memref_squeeze %dma_start3A_105 : memref<1x1x64x512xf32, #tpu.memory_space<hbm>> -> memref<64x512xf32, #tpu.memory_space<hbm>>
        %dma_start3A_107 = arith.constant 0 : i32
        %dma_start3A_108 = tpu.memref_slice %arg2[%add3A, %add3A_99, %mul3A_103, %dma_start3A_107] : memref<32x3x512x512xf32, #tpu.memory_space<hbm>> -> memref<1x1x64x512xf32, #tpu.memory_space<hbm>>
        %dma_start3A_109 = tpu.memref_squeeze %dma_start3A_108 : memref<1x1x64x512xf32, #tpu.memory_space<hbm>> -> memref<64x512xf32, #tpu.memory_space<hbm>>
        tpu.enqueue_dma source(%dma_start3A_109 : memref<64x512xf32, #tpu.memory_space<hbm>>) target(%arg5 : memref<64x512xf32, #tpu.memory_space<vmem>>) target_semaphore(%arg9 : memref<!tpu.dma_semaphore, #tpu.memory_space<semaphore_mem>>)
      } else {
      }
      %dma_wait3A_71 = arith.constant 1 : i32
      %dma_wait3A_72 = arith.constant 0 : i32
      %dma_wait3A_73 = arith.constant 0 : i32
      %dma_wait3A_74 = tpu.memref_slice %arg3[%add3A, %dma_wait3A_71, %dma_wait3A_72, %dma_wait3A_73] : memref<32x3x512x512xf32, #tpu.memory_space<hbm>> -> memref<1x1x64x512xf32, #tpu.memory_space<hbm>>
      %dma_wait3A_75 = tpu.memref_squeeze %dma_wait3A_74 : memref<1x1x64x512xf32, #tpu.memory_space<hbm>> -> memref<64x512xf32, #tpu.memory_space<hbm>>
      %dma_wait3A_76 = arith.constant 0 : i32
      %dma_wait3A_77 = arith.constant 0 : i32
      %dma_wait3A_78 = tpu.memref_slice %arg3[%add3A, %dma_wait3A_71, %dma_wait3A_76, %dma_wait3A_77] : memref<32x3x512x512xf32, #tpu.memory_space<hbm>> -> memref<1x1x64x512xf32, #tpu.memory_space<hbm>>
      %dma_wait3A_79 = tpu.memref_squeeze %dma_wait3A_78 : memref<1x1x64x512xf32, #tpu.memory_space<hbm>> -> memref<64x512xf32, #tpu.memory_space<hbm>>
      tpu.wait_dma2 semaphore(%arg10 : memref<!tpu.dma_semaphore, #tpu.memory_space<semaphore_mem>>) src(%dma_wait3A_79 : memref<64x512xf32, #tpu.memory_space<hbm>>) dst(%arg6 : memref<64x512xf32, #tpu.memory_space<vmem>>)
      %shift_right_arithmetic3A_80 = arith.constant 3 : i32
      %shift_right_arithmetic3A_81 = arith.shrsi %scan3A_35, %shift_right_arithmetic3A_80 : i32
      %add3A_82 = arith.constant 2 : i32
      %add3A_83 = arith.addi %add3A_82, %shift_right_arithmetic3A_81 : i32
      %mul3A_84 = arith.constant 64 : i32
      %mul3A_85 = arith.muli %add3A_83, %mul3A_84 : i32
      %mul3A_86 = arith.constant 16 : i32
      %mul3A_87 = arith.muli %mul3A_85, %mul3A_86 : i32
      %add3A_88 = vector.broadcast %mul3A_87 : i32 to vector<16xi32>
      %add3A_89 = arith.addi %iota3A, %add3A_88 : vector<16xi32>
      %parallel_loop3A_90 = arith.constant 0 : i32
      %parallel_loop3A_91 = arith.constant 2048 : i32
      %parallel_loop3A_92 = arith.constant 1 : i32
      scf.for %parallel_loop3A_94 = %parallel_loop3A_90 to %parallel_loop3A_91 step %parallel_loop3A_92  : i32 {
        %parallel_loop3A_95 = arith.constant 5 : i32
        %parallel_loop3A_96 = arith.shrsi %parallel_loop3A_94, %parallel_loop3A_95 : i32
        %parallel_loop3A_97 = arith.constant 31 : i32
        %parallel_loop3A_98 = arith.andi %parallel_loop3A_94, %parallel_loop3A_97 : i32
        %parallel_loop3A_99 = arith.constant 16 : i32
        %parallel_loop3A_100 = arith.muli %parallel_loop3A_98, %parallel_loop3A_99 : i32
        %parallel_loop3A_101 = arith.index_cast %parallel_loop3A_96 : i32 to index
        %parallel_loop3A_102 = arith.index_cast %parallel_loop3A_100 : i32 to index
        %parallel_loop3A_103 = tpu.vector_load %arg6[%parallel_loop3A_101, %parallel_loop3A_102] {strides = array<i32>} : memref<64x512xf32, #tpu.memory_space<vmem>>, vector<16xf32>,
        %parallel_loop3A_104 = arith.constant 5.000000e-01 : f32
        %parallel_loop3A_105 = vector.broadcast %parallel_loop3A_104 : f32 to vector<16xf32>
        %parallel_loop3A_106 = arith.mulf %parallel_loop3A_103, %parallel_loop3A_105 : vector<16xf32>
        %parallel_loop3A_107 = arith.constant 1.500000e+00 : f32
        %parallel_loop3A_108 = vector.broadcast %parallel_loop3A_107 : f32 to vector<16xf32>
        %parallel_loop3A_109 = arith.addf %parallel_loop3A_106, %parallel_loop3A_108 : vector<16xf32>
        %parallel_loop3A_110 = arith.constant 1.000000e+00 : f32
        %parallel_loop3A_111 = vector.broadcast %parallel_loop3A_110 : f32 to vector<16xf32>
        %parallel_loop3A_112 = arith.maximumf %parallel_loop3A_109, %parallel_loop3A_111 : vector<16xf32>
        %parallel_loop3A_113 = arith.constant 1.99902344 : f32
        %parallel_loop3A_114 = vector.broadcast %parallel_loop3A_113 : f32 to vector<16xf32>
        %parallel_loop3A_115 = arith.minimumf %parallel_loop3A_112, %parallel_loop3A_114 : vector<16xf32>
        %parallel_loop3A_116 = vector.bitcast %parallel_loop3A_115 : vector<16xf32> to vector<16xi32>
        %parallel_loop3A_117 = arith.constant 13 : i32
        %parallel_loop3A_118 = vector.broadcast %parallel_loop3A_117 : i32 to vector<16xi32>
        %parallel_loop3A_119 = arith.shrui %parallel_loop3A_116, %parallel_loop3A_118 : vector<16xi32>
        %parallel_loop3A_120 = arith.constant 1008 : i32
        %parallel_loop3A_121 = vector.broadcast %parallel_loop3A_120 : i32 to vector<16xi32>
        %parallel_loop3A_122 = arith.andi %parallel_loop3A_119, %parallel_loop3A_121 : vector<16xi32>
        %parallel_loop3A_123 = arith.addi %parallel_loop3A_122, %add3A_89 : vector<16xi32>
        tpu.vector_store_idx %arg7[%parallel_loop3A_123], %broadcast_in_dim3A_9 {add = true} : memref<4096xf32, #tpu.memory_space<vmem>>[vector<16xi32>], vector<16xf32>,
      } {sc.loop_unroll_factor = 16 : i64, sc.parallel_access}
      %scan3A_93 = arith.constant 0 : i32
      scf.yield %scan3A_93 : i32
    }
    %scan3A_24 = arith.constant 16 : i32
    %mul3A_25 = arith.constant 16 : i32
    %mul3A_26 = vector.broadcast %mul3A_25 : i32 to vector<16xi32>
    %mul3A_27 = arith.muli %iota3A, %mul3A_26 : vector<16xi32>
    %scan3A_28 = arith.constant 0 : i32
    %scan3A_29 = arith.constant 0 : i32
    %scan3A_30 = arith.constant 16 : i32
    %scan3A_31 = arith.addi %scan3A_29, %scan3A_30 : i32
    %scan3A_32 = arith.constant 1 : i32
    %scan3A_33 = scf.for %scan3A_35 = %scan3A_29 to %scan3A_31 step %scan3A_32 iter_args(%scan3A_36 = %scan3A_28) -> (i32)  : i32 {
      %mul3A_37 = arith.constant 256 : i32
      %mul3A_38 = arith.muli %scan3A_35, %mul3A_37 : i32
      %broadcast_in_dim3A_39 = arith.constant 0.000000e+00 : f32
      %broadcast_in_dim3A_40 = vector.broadcast %broadcast_in_dim3A_39 : f32 to vector<16xf32>
      %add3A_41 = vector.broadcast %mul3A_38 : i32 to vector<16xi32>
      %add3A_42 = arith.addi %add3A_41, %mul3A_27 : vector<16xi32>
      %add3A_43 = arith.constant 0 : i32
      %add3A_44 = vector.broadcast %add3A_43 : i32 to vector<16xi32>
      %add3A_45 = arith.addi %add3A_42, %add3A_44 : vector<16xi32>
      %gather3A = tpu.vector_load_idx %arg7[%add3A_45] : memref<4096xf32, #tpu.memory_space<vmem>>[vector<16xi32>], vector<16xf32>,
      %add3A_46 = arith.addf %broadcast_in_dim3A_40, %gather3A : vector<16xf32>
      %add3A_47 = vector.broadcast %mul3A_38 : i32 to vector<16xi32>
      %add3A_48 = arith.addi %add3A_47, %mul3A_27 : vector<16xi32>
      %add3A_49 = arith.constant 1 : i32
      %add3A_50 = vector.broadcast %add3A_49 : i32 to vector<16xi32>
      %add3A_51 = arith.addi %add3A_48, %add3A_50 : vector<16xi32>
      %gather3A_52 = tpu.vector_load_idx %arg7[%add3A_51] : memref<4096xf32, #tpu.memory_space<vmem>>[vector<16xi32>], vector<16xf32>,
      %add3A_53 = arith.addf %add3A_46, %gather3A_52 : vector<16xf32>
      %add3A_54 = vector.broadcast %mul3A_38 : i32 to vector<16xi32>
      %add3A_55 = arith.addi %add3A_54, %mul3A_27 : vector<16xi32>
      %add3A_56 = arith.constant 2 : i32
      %add3A_57 = vector.broadcast %add3A_56 : i32 to vector<16xi32>
      %add3A_58 = arith.addi %add3A_55, %add3A_57 : vector<16xi32>
      %gather3A_59 = tpu.vector_load_idx %arg7[%add3A_58] : memref<4096xf32, #tpu.memory_space<vmem>>[vector<16xi32>], vector<16xf32>,
      %add3A_60 = arith.addf %add3A_53, %gather3A_59 : vector<16xf32>
      %add3A_61 = vector.broadcast %mul3A_38 : i32 to vector<16xi32>
      %add3A_62 = arith.addi %add3A_61, %mul3A_27 : vector<16xi32>
      %add3A_63 = arith.constant 3 : i32
      %add3A_64 = vector.broadcast %add3A_63 : i32 to vector<16xi32>
      %add3A_65 = arith.addi %add3A_62, %add3A_64 : vector<16xi32>
      %gather3A_66 = tpu.vector_load_idx %arg7[%add3A_65] : memref<4096xf32, #tpu.memory_space<vmem>>[vector<16xi32>], vector<16xf32>,
      %add3A_67 = arith.addf %add3A_60, %gather3A_66 : vector<16xf32>
      %add3A_68 = vector.broadcast %mul3A_38 : i32 to vector<16xi32>
      %add3A_69 = arith.addi %add3A_68, %mul3A_27 : vector<16xi32>
      %add3A_70 = arith.constant 4 : i32
      %add3A_71 = vector.broadcast %add3A_70 : i32 to vector<16xi32>
      %add3A_72 = arith.addi %add3A_69, %add3A_71 : vector<16xi32>
      %gather3A_73 = tpu.vector_load_idx %arg7[%add3A_72] : memref<4096xf32, #tpu.memory_space<vmem>>[vector<16xi32>], vector<16xf32>,
      %add3A_74 = arith.addf %add3A_67, %gather3A_73 : vector<16xf32>
      %add3A_75 = vector.broadcast %mul3A_38 : i32 to vector<16xi32>
      %add3A_76 = arith.addi %add3A_75, %mul3A_27 : vector<16xi32>
      %add3A_77 = arith.constant 5 : i32
      %add3A_78 = vector.broadcast %add3A_77 : i32 to vector<16xi32>
      %add3A_79 = arith.addi %add3A_76, %add3A_78 : vector<16xi32>
      %gather3A_80 = tpu.vector_load_idx %arg7[%add3A_79] : memref<4096xf32, #tpu.memory_space<vmem>>[vector<16xi32>], vector<16xf32>,
      %add3A_81 = arith.addf %add3A_74, %gather3A_80 : vector<16xf32>
      %add3A_82 = vector.broadcast %mul3A_38 : i32 to vector<16xi32>
      %add3A_83 = arith.addi %add3A_82, %mul3A_27 : vector<16xi32>
      %add3A_84 = arith.constant 6 : i32
      %add3A_85 = vector.broadcast %add3A_84 : i32 to vector<16xi32>
      %add3A_86 = arith.addi %add3A_83, %add3A_85 : vector<16xi32>
      %gather3A_87 = tpu.vector_load_idx %arg7[%add3A_86] : memref<4096xf32, #tpu.memory_space<vmem>>[vector<16xi32>], vector<16xf32>,
      %add3A_88 = arith.addf %add3A_81, %gather3A_87 : vector<16xf32>
      %add3A_89 = vector.broadcast %mul3A_38 : i32 to vector<16xi32>
      %add3A_90 = arith.addi %add3A_89, %mul3A_27 : vector<16xi32>
      %add3A_91 = arith.constant 7 : i32
      %add3A_92 = vector.broadcast %add3A_91 : i32 to vector<16xi32>
      %add3A_93 = arith.addi %add3A_90, %add3A_92 : vector<16xi32>
      %gather3A_94 = tpu.vector_load_idx %arg7[%add3A_93] : memref<4096xf32, #tpu.memory_space<vmem>>[vector<16xi32>], vector<16xf32>,
      %add3A_95 = arith.addf %add3A_88, %gather3A_94 : vector<16xf32>
      %add3A_96 = vector.broadcast %mul3A_38 : i32 to vector<16xi32>
      %add3A_97 = arith.addi %add3A_96, %mul3A_27 : vector<16xi32>
      %add3A_98 = arith.constant 8 : i32
      %add3A_99 = vector.broadcast %add3A_98 : i32 to vector<16xi32>
      %add3A_100 = arith.addi %add3A_97, %add3A_99 : vector<16xi32>
      %gather3A_101 = tpu.vector_load_idx %arg7[%add3A_100] : memref<4096xf32, #tpu.memory_space<vmem>>[vector<16xi32>], vector<16xf32>,
      %add3A_102 = arith.addf %add3A_95, %gather3A_101 : vector<16xf32>
      %add3A_103 = vector.broadcast %mul3A_38 : i32 to vector<16xi32>
      %add3A_104 = arith.addi %add3A_103, %mul3A_27 : vector<16xi32>
      %add3A_105 = arith.constant 9 : i32
      %add3A_106 = vector.broadcast %add3A_105 : i32 to vector<16xi32>
      %add3A_107 = arith.addi %add3A_104, %add3A_106 : vector<16xi32>
      %gather3A_108 = tpu.vector_load_idx %arg7[%add3A_107] : memref<4096xf32, #tpu.memory_space<vmem>>[vector<16xi32>], vector<16xf32>,
      %add3A_109 = arith.addf %add3A_102, %gather3A_108 : vector<16xf32>
      %add3A_110 = vector.broadcast %mul3A_38 : i32 to vector<16xi32>
      %add3A_111 = arith.addi %add3A_110, %mul3A_27 : vector<16xi32>
      %add3A_112 = arith.constant 10 : i32
      %add3A_113 = vector.broadcast %add3A_112 : i32 to vector<16xi32>
      %add3A_114 = arith.addi %add3A_111, %add3A_113 : vector<16xi32>
      %gather3A_115 = tpu.vector_load_idx %arg7[%add3A_114] : memref<4096xf32, #tpu.memory_space<vmem>>[vector<16xi32>], vector<16xf32>,
      %add3A_116 = arith.addf %add3A_109, %gather3A_115 : vector<16xf32>
      %add3A_117 = vector.broadcast %mul3A_38 : i32 to vector<16xi32>
      %add3A_118 = arith.addi %add3A_117, %mul3A_27 : vector<16xi32>
      %add3A_119 = arith.constant 11 : i32
      %add3A_120 = vector.broadcast %add3A_119 : i32 to vector<16xi32>
      %add3A_121 = arith.addi %add3A_118, %add3A_120 : vector<16xi32>
      %gather3A_122 = tpu.vector_load_idx %arg7[%add3A_121] : memref<4096xf32, #tpu.memory_space<vmem>>[vector<16xi32>], vector<16xf32>,
      %add3A_123 = arith.addf %add3A_116, %gather3A_122 : vector<16xf32>
      %add3A_124 = vector.broadcast %mul3A_38 : i32 to vector<16xi32>
      %add3A_125 = arith.addi %add3A_124, %mul3A_27 : vector<16xi32>
      %add3A_126 = arith.constant 12 : i32
      %add3A_127 = vector.broadcast %add3A_126 : i32 to vector<16xi32>
      %add3A_128 = arith.addi %add3A_125, %add3A_127 : vector<16xi32>
      %gather3A_129 = tpu.vector_load_idx %arg7[%add3A_128] : memref<4096xf32, #tpu.memory_space<vmem>>[vector<16xi32>], vector<16xf32>,
      %add3A_130 = arith.addf %add3A_123, %gather3A_129 : vector<16xf32>
      %add3A_131 = vector.broadcast %mul3A_38 : i32 to vector<16xi32>
      %add3A_132 = arith.addi %add3A_131, %mul3A_27 : vector<16xi32>
      %add3A_133 = arith.constant 13 : i32
      %add3A_134 = vector.broadcast %add3A_133 : i32 to vector<16xi32>
      %add3A_135 = arith.addi %add3A_132, %add3A_134 : vector<16xi32>
      %gather3A_136 = tpu.vector_load_idx %arg7[%add3A_135] : memref<4096xf32, #tpu.memory_space<vmem>>[vector<16xi32>], vector<16xf32>,
      %add3A_137 = arith.addf %add3A_130, %gather3A_136 : vector<16xf32>
      %add3A_138 = vector.broadcast %mul3A_38 : i32 to vector<16xi32>
      %add3A_139 = arith.addi %add3A_138, %mul3A_27 : vector<16xi32>
      %add3A_140 = arith.constant 14 : i32
      %add3A_141 = vector.broadcast %add3A_140 : i32 to vector<16xi32>
      %add3A_142 = arith.addi %add3A_139, %add3A_141 : vector<16xi32>
      %gather3A_143 = tpu.vector_load_idx %arg7[%add3A_142] : memref<4096xf32, #tpu.memory_space<vmem>>[vector<16xi32>], vector<16xf32>,
      %add3A_144 = arith.addf %add3A_137, %gather3A_143 : vector<16xf32>
      %add3A_145 = vector.broadcast %mul3A_38 : i32 to vector<16xi32>
      %add3A_146 = arith.addi %add3A_145, %mul3A_27 : vector<16xi32>
      %add3A_147 = arith.constant 15 : i32
      %add3A_148 = vector.broadcast %add3A_147 : i32 to vector<16xi32>
      %add3A_149 = arith.addi %add3A_146, %add3A_148 : vector<16xi32>
      %gather3A_150 = tpu.vector_load_idx %arg7[%add3A_149] : memref<4096xf32, #tpu.memory_space<vmem>>[vector<16xi32>], vector<16xf32>,
      %add3A_151 = arith.addf %add3A_144, %gather3A_150 : vector<16xf32>
      %mul3A_152 = arith.constant 16 : i32
      %mul3A_153 = arith.muli %scan3A_35, %mul3A_152 : i32
      %swap3A = arith.index_cast %mul3A_153 : i32 to index
      %swap3A_154 = tpu.vector_load %arg8[%swap3A] {strides = array<i32>} : memref<256xf32, #tpu.memory_space<vmem>>, vector<16xf32>,
      tpu.vector_store %arg8[%swap3A], %add3A_151 {strides = array<i32>} : memref<256xf32, #tpu.memory_space<vmem>>, vector<16xf32>,
      %scan3A_155 = arith.constant 0 : i32
      scf.yield %scan3A_155 : i32
    }
    %scan3A_34 = arith.constant 16 : i32
    "tpu.region"() ({
      %run_scoped3A = tpu.sem_alloc : memref<!tpu.dma_semaphore, #tpu.memory_space<semaphore_mem>>
      %dma_start3A_35 = arith.constant 0 : i32
      %dma_start3A_36 = tpu.memref_slice %arg4[%add3A, %dma_start3A_35] : memref<32x256xf32, #tpu.memory_space<hbm>> -> memref<1x256xf32, #tpu.memory_space<hbm>>
      %dma_start3A_37 = tpu.memref_squeeze %dma_start3A_36 : memref<1x256xf32, #tpu.memory_space<hbm>> -> memref<256xf32, #tpu.memory_space<hbm>>
      %dma_start3A_38 = arith.constant 0 : i32
      %dma_start3A_39 = tpu.memref_slice %arg4[%add3A, %dma_start3A_38] : memref<32x256xf32, #tpu.memory_space<hbm>> -> memref<1x256xf32, #tpu.memory_space<hbm>>
      %dma_start3A_40 = tpu.memref_squeeze %dma_start3A_39 : memref<1x256xf32, #tpu.memory_space<hbm>> -> memref<256xf32, #tpu.memory_space<hbm>>
      tpu.enqueue_dma source(%arg8 : memref<256xf32, #tpu.memory_space<vmem>>) target(%dma_start3A_40 : memref<256xf32, #tpu.memory_space<hbm>>) target_semaphore(%run_scoped3A : memref<!tpu.dma_semaphore, #tpu.memory_space<semaphore_mem>>)
      %dma_wait3A = arith.constant 0 : i32
      %dma_wait3A_41 = tpu.memref_slice %arg4[%add3A, %dma_wait3A] : memref<32x256xf32, #tpu.memory_space<hbm>> -> memref<1x256xf32, #tpu.memory_space<hbm>>
      %dma_wait3A_42 = tpu.memref_squeeze %dma_wait3A_41 : memref<1x256xf32, #tpu.memory_space<hbm>> -> memref<256xf32, #tpu.memory_space<hbm>>
      %dma_wait3A_43 = arith.constant 0 : i32
      %dma_wait3A_44 = tpu.memref_slice %arg4[%add3A, %dma_wait3A_43] : memref<32x256xf32, #tpu.memory_space<hbm>> -> memref<1x256xf32, #tpu.memory_space<hbm>>
      %dma_wait3A_45 = tpu.memref_squeeze %dma_wait3A_44 : memref<1x256xf32, #tpu.memory_space<hbm>> -> memref<256xf32, #tpu.memory_space<hbm>>
      tpu.wait_dma2 semaphore(%run_scoped3A : memref<!tpu.dma_semaphore, #tpu.memory_space<semaphore_mem>>) src(%arg8 : memref<256xf32, #tpu.memory_space<vmem>>) dst(%dma_wait3A_45 : memref<256xf32, #tpu.memory_space<hbm>>)
      tpu.yield
    }) : () -> ()
    return
  }
}

module attributes {stable_mosaic.version = 14 : i64} {
  func.func @_finalize_body(%arg0: memref<32x256xf32, #tpu.memory_space<vmem>>, %arg1: memref<1x1xf32, #tpu.memory_space<smem>>) attributes {dimension_semantics = [], scalar_prefetch = 0 : i64, scratch_operands = 0 : i64, tpu.core_type = #tpu.core_type<tc>} {
    %get3A = arith.constant 0 : index
    %get3A_0 = arith.constant 0 : index
    %get3A_1 = vector.load %arg0[%get3A, %get3A_0] : memref<32x256xf32, #tpu.memory_space<vmem>>, vector<32x256xf32>
    %reduce_sum3A = arith.constant dense<0.000000e+00> : vector<256xf32>
    %reduce_sum3A_2 = vector.multi_reduction <add>, %get3A_1, %reduce_sum3A [0] : vector<32x256xf32> to vector<256xf32>
    %broadcast_in_dim3A = vector.shape_cast %reduce_sum3A_2 : vector<256xf32> to vector<1x256xf32>
    %slice3A = vector.extract_strided_slice %broadcast_in_dim3A {offsets = [0, 0], sizes = [1, 64], strides = [1, 1]} : vector<1x256xf32> to vector<1x64xf32>
    %add3A = arith.constant 9.99999993E-9 : f32
    %add3A_3 = vector.broadcast %add3A : f32 to vector<1x64xf32>
    %add3A_4 = arith.addf %slice3A, %add3A_3 : vector<1x64xf32>
    %reduce_sum3A_5 = vector.shape_cast %add3A_4 : vector<1x64xf32> to vector<1x1x64xf32>
    %reduce_sum3A_6 = arith.constant dense<0.000000e+00> : vector<1xf32>
    %reduce_sum3A_7 = vector.multi_reduction <add>, %reduce_sum3A_5, %reduce_sum3A_6 [1, 2] : vector<1x1x64xf32> to vector<1xf32>
    %reduce_sum3A_8 = vector.shape_cast %reduce_sum3A_7 : vector<1xf32> to vector<1x1x1xf32>
    %reduce_sum3A_9 = vector.extract %reduce_sum3A_8[0, 0, 0] : f32 from vector<1x1x1xf32>
    %div3A = vector.broadcast %reduce_sum3A_9 : f32 to vector<1x64xf32>
    %div3A_10 = arith.divf %add3A_4, %div3A : vector<1x64xf32>
    %slice3A_11 = vector.extract_strided_slice %broadcast_in_dim3A {offsets = [0, 64], sizes = [1, 64], strides = [1, 1]} : vector<1x256xf32> to vector<1x64xf32>
    %add3A_12 = arith.constant 9.99999993E-9 : f32
    %add3A_13 = vector.broadcast %add3A_12 : f32 to vector<1x64xf32>
    %add3A_14 = arith.addf %slice3A_11, %add3A_13 : vector<1x64xf32>
    %reduce_sum3A_15 = vector.shape_cast %add3A_14 : vector<1x64xf32> to vector<1x1x64xf32>
    %reduce_sum3A_16 = arith.constant dense<0.000000e+00> : vector<1xf32>
    %reduce_sum3A_17 = vector.multi_reduction <add>, %reduce_sum3A_15, %reduce_sum3A_16 [1, 2] : vector<1x1x64xf32> to vector<1xf32>
    %reduce_sum3A_18 = vector.shape_cast %reduce_sum3A_17 : vector<1xf32> to vector<1x1x1xf32>
    %reduce_sum3A_19 = vector.extract %reduce_sum3A_18[0, 0, 0] : f32 from vector<1x1x1xf32>
    %div3A_20 = vector.broadcast %reduce_sum3A_19 : f32 to vector<1x64xf32>
    %div3A_21 = arith.divf %add3A_14, %div3A_20 : vector<1x64xf32>
    %slice3A_22 = vector.extract_strided_slice %broadcast_in_dim3A {offsets = [0, 128], sizes = [1, 64], strides = [1, 1]} : vector<1x256xf32> to vector<1x64xf32>
    %add3A_23 = arith.constant 9.99999993E-9 : f32
    %add3A_24 = vector.broadcast %add3A_23 : f32 to vector<1x64xf32>
    %add3A_25 = arith.addf %slice3A_22, %add3A_24 : vector<1x64xf32>
    %reduce_sum3A_26 = vector.shape_cast %add3A_25 : vector<1x64xf32> to vector<1x1x64xf32>
    %reduce_sum3A_27 = arith.constant dense<0.000000e+00> : vector<1xf32>
    %reduce_sum3A_28 = vector.multi_reduction <add>, %reduce_sum3A_26, %reduce_sum3A_27 [1, 2] : vector<1x1x64xf32> to vector<1xf32>
    %reduce_sum3A_29 = vector.shape_cast %reduce_sum3A_28 : vector<1xf32> to vector<1x1x1xf32>
    %reduce_sum3A_30 = vector.extract %reduce_sum3A_29[0, 0, 0] : f32 from vector<1x1x1xf32>
    %div3A_31 = vector.broadcast %reduce_sum3A_30 : f32 to vector<1x64xf32>
    %div3A_32 = arith.divf %add3A_25, %div3A_31 : vector<1x64xf32>
    %slice3A_33 = vector.extract_strided_slice %broadcast_in_dim3A {offsets = [0, 192], sizes = [1, 64], strides = [1, 1]} : vector<1x256xf32> to vector<1x64xf32>
    %add3A_34 = arith.constant 9.99999993E-9 : f32
    %add3A_35 = vector.broadcast %add3A_34 : f32 to vector<1x64xf32>
    %add3A_36 = arith.addf %slice3A_33, %add3A_35 : vector<1x64xf32>
    %reduce_sum3A_37 = vector.shape_cast %add3A_36 : vector<1x64xf32> to vector<1x1x64xf32>
    %reduce_sum3A_38 = arith.constant dense<0.000000e+00> : vector<1xf32>
    %reduce_sum3A_39 = vector.multi_reduction <add>, %reduce_sum3A_37, %reduce_sum3A_38 [1, 2] : vector<1x1x64xf32> to vector<1xf32>
    %reduce_sum3A_40 = vector.shape_cast %reduce_sum3A_39 : vector<1xf32> to vector<1x1x1xf32>
    %reduce_sum3A_41 = vector.extract %reduce_sum3A_40[0, 0, 0] : f32 from vector<1x1x1xf32>
    %div3A_42 = vector.broadcast %reduce_sum3A_41 : f32 to vector<1x64xf32>
    %div3A_43 = arith.divf %add3A_36, %div3A_42 : vector<1x64xf32>
    %log3A = math.log %div3A_32 : vector<1x64xf32>
    %add3A_44 = arith.constant 9.99999993E-9 : f32
    %add3A_45 = vector.broadcast %add3A_44 : f32 to vector<1x64xf32>
    %add3A_46 = arith.addf %div3A_10, %add3A_45 : vector<1x64xf32>
    %log3A_47 = math.log %add3A_46 : vector<1x64xf32>
    %sub3A = arith.subf %log3A, %log3A_47 : vector<1x64xf32>
    %mul3A = arith.mulf %div3A_32, %sub3A : vector<1x64xf32>
    %reduce_sum3A_48 = vector.shape_cast %mul3A : vector<1x64xf32> to vector<1x1x64xf32>
    %reduce_sum3A_49 = arith.constant dense<0.000000e+00> : vector<1xf32>
    %reduce_sum3A_50 = vector.multi_reduction <add>, %reduce_sum3A_48, %reduce_sum3A_49 [1, 2] : vector<1x1x64xf32> to vector<1xf32>
    %reduce_sum3A_51 = vector.shape_cast %reduce_sum3A_50 : vector<1xf32> to vector<1x1x1xf32>
    %reduce_sum3A_52 = vector.extract %reduce_sum3A_51[0, 0, 0] : f32 from vector<1x1x1xf32>
    %log3A_53 = math.log %div3A_43 : vector<1x64xf32>
    %add3A_54 = arith.constant 9.99999993E-9 : f32
    %add3A_55 = vector.broadcast %add3A_54 : f32 to vector<1x64xf32>
    %add3A_56 = arith.addf %div3A_21, %add3A_55 : vector<1x64xf32>
    %log3A_57 = math.log %add3A_56 : vector<1x64xf32>
    %sub3A_58 = arith.subf %log3A_53, %log3A_57 : vector<1x64xf32>
    %mul3A_59 = arith.mulf %div3A_43, %sub3A_58 : vector<1x64xf32>
    %reduce_sum3A_60 = vector.shape_cast %mul3A_59 : vector<1x64xf32> to vector<1x1x64xf32>
    %reduce_sum3A_61 = arith.constant dense<0.000000e+00> : vector<1xf32>
    %reduce_sum3A_62 = vector.multi_reduction <add>, %reduce_sum3A_60, %reduce_sum3A_61 [1, 2] : vector<1x1x64xf32> to vector<1xf32>
    %reduce_sum3A_63 = vector.shape_cast %reduce_sum3A_62 : vector<1xf32> to vector<1x1x1xf32>
    %reduce_sum3A_64 = vector.extract %reduce_sum3A_63[0, 0, 0] : f32 from vector<1x1x1xf32>
    %add3A_65 = arith.addf %reduce_sum3A_52, %reduce_sum3A_64 : f32
    %div3A_66 = arith.constant 1.280000e+02 : f32
    %div3A_67 = arith.divf %add3A_65, %div3A_66 : f32
    %swap3A = arith.constant 0 : index
    %swap3A_68 = arith.constant 0 : index
    %swap3A_69 = memref.load %arg1[%swap3A, %swap3A_68] : memref<1x1xf32, #tpu.memory_space<smem>>
    memref.store %div3A_67, %arg1[%swap3A, %swap3A_68] : memref<1x1xf32, #tpu.memory_space<smem>>
    return
  }
}

</mosaic_0001>

<sc_bundles>
// kernel: kernel.4.cloned.1.call-start
scs
__scs_entry_jumppad:
0x0: {  	(pc) =	sbr.rel $0x88, $3  }
0x1: {  	(tag) =	ssettag $0x0;
	lr =	simm.s32 $0x1  }
0x2: {  	[smem:$0x3F9F] =	sst lr;
	_ =	strace $0xD0000000  }
0x3: {  	_ = 	snop  }
0x4: {  	_ = 	snop  }
0x5: {  	_ = 	snop  }
0x6: {  	_ = 	snop  }
0x7: {  	_ = 	snop  }
__scs_overlays_trampoline_lowered:
0x8: {  	[smem:$0x3FAE] =	sst s0  }
0x9: {  	[smem:$0x3FAF] =	sst s1  }
0xa: {  	[smem:$0x3FB0] =	sst s2  }
0xb: {  	[smem:$0x3FB1] =	sst s3  }
0xc: {  	[smem:$0x3FB2] =	sst s4  }
0xd: {  	[smem:$0x3FB3] =	sst s5  }
0xe: {  	[smem:$0x3FB4] =	sst s6  }
0xf: {  	[smem:$0x3FB5] =	sst s7  }
0x10: {  	[smem:$0x3FB6] =	sst s8  }
0x11: {  	[smem:$0x3FB7] =	sst s9;
	s0 =	simm.s32 @!p0 $0x0  }
0x12: {  	s1 =	sld [smem:$0x3F9D];
	s0 =	simm.s32 @p0 $0x1  }
0x13: {  	[smem:$0x3FB8] =	sst s0;
	s0 =	simm.s32 @!p1 $0x0  }
0x14: {  	s2 =	sld [smem:$0x3F9C];
	s0 =	simm.s32 @p1 $0x1  }
0x15: {  	[smem:$0x3FB9] =	sst s0;
	s0 =	simm.s32 @!p2 $0x0  }
0x16: {  	s3 =	sld [smem:$0x3FDB];
	s0 =	simm.s32 @p2 $0x1  }
0x17: {  	s4 =	simm.s32 $0x1BF5;
	[smem:$0x3FBB] =	sst s0  }
0x18: {  	s0 =	sld [smem:$0x3F9E];
	_ =	swait.ge [sflag:s4], $0x0  }
0x19: {  	s7 =	sld [smem:$0x3F9F]  }
0x1a: {  	s8 =	sadd.s32 $0xFFFFE003, lr  }
0x1b: {  	s9 =	sadd.s32 $0xFFFFFEF7, lr;
	s5 =	simm.s32 $0xFFFFFFFF;
	p2 =	slt.u32 s8, $0xFFFFF086  }
0x1c: {  	p1 =	slt.u32 s9, $0xF7A;
	s5 =	simm.s32 @!p2 $0x0  }
0x1d: {  	s5 =	simm.s32 @p1 $0x1;
	p0 =	seq.s32 s7, s2  }
0x1e: {  	s7 =	smul.u32 @!p0 $0xF7A, s2;
	p2 =	seq.s32 @!p0 s5, $0x0  }
0x1f: {  	s9 =	smul.u32 $0xF7A, s1;
	s8 =	simm.s32 @!p0 $0x1BF5;
	p2 =	por !p2, p0  }
0x20: {  	[sflag:s8] =	ssyncset.s32 @!p0 $0xFFFFF086;
	s6 =	sadd.s32 @!p0 s3, s7;
	s7 =	simm.s32 @!p0 $0x108  }
0x21: {  	s3 =	sadd.s32 s3, s9;
	s6 =	sadd.s32 @!p0 $0x88, s6;
	s7 =	simm.s32 @p2 $0x1082  }
0x22: {  	[simem:s7], [sflag:s8] =	dma.local @!p0 [hbm:s6], $0xF7A  }
0x23: {  	s9 =	sor.u32 $0xD0000000, s2;
	s6 =	simm.s32 $0x108;
	_ =	swait.ge @!p0 [sflag:s8], $0x0  }
0x24: {  	s3 =	sadd.s32 $0x88, s3;
	s6 =	simm.s32 @!p1 $0x1082;
	[sflag:s4] =	ssyncset.s32 $0xFFFFF086  }
0x25: {  	[simem:s6], [sflag:s4] =	dma.local [hbm:s3], $0xF7A  }
0x26: {  	[smem:$0x3F9F] =	sst s1;
	(tag) =	ssettag s2;
	_ =	strace s9  }
0x27: {  	s1 =	sld [smem:$0x3FAF]  }
0x28: {  	s2 =	sld [smem:$0x3FB0]  }
0x29: {  	s4 =	sld [smem:$0x3FB2]  }
0x2a: {  	p0 =	seq.s32 s5, $0x0;
	s5 =	sld [smem:$0x3FB3]  }
0x2b: {  	s6 =	sld [smem:$0x3FB4]  }
0x2c: {  	s7 =	sld [smem:$0x3FB5]  }
0x2d: {  	s3 =	simm.s32 $0x108;
	s8 =	sld [smem:$0x3FB6]  }
0x2e: {  	s3 =	simm.s32 @!p0 $0x1082;
	s9 =	sld [smem:$0x3FB7]  }
0x2f: {  	lr =	sadd.s32 s0, s3;
	s0 =	sld [smem:$0x3FAE]  }
0x30: {  	s3 =	sld [smem:$0x3FB1]  }
0x31: {  	[smem:$0x3FBA] =	sst s10  }
0x32: {  	s10 =	sld [smem:$0x3FB8];
	_ =	sdelay $0x3  }
0x33: {  	p0 =	seq.s32 s10, $0x1;
	s10 =	sld [smem:$0x3FBA];
	_ =	sdelay $0x3  }
0x34: {  	[smem:$0x3FBA] =	sst s10  }
0x35: {  	s10 =	sld [smem:$0x3FB9];
	_ =	sdelay $0x3  }
0x36: {  	p1 =	seq.s32 s10, $0x1;
	s10 =	sld [smem:$0x3FBA];
	_ =	sdelay $0x3  }
0x37: {  	[smem:$0x3FBA] =	sst s10  }
0x38: {  	s10 =	sld [smem:$0x3FBB]  }
0x39: {  	_ = 	snop;
	(pc) =	sbr.ind lr, $3  }
0x3a: {  	_ = 	snop  }
0x3b: {  	_ = 	snop  }
0x3c: {  	p2 =	seq.s32 s10, $0x1;
	s10 =	sld [smem:$0x3FBA]  }
0x3d: {  	_ =	shalt  }
0x3e: {  	_ =	shalt  }
0x3f: {  	_ =	shalt  }
0x40: {  	_ =	shalt  }
0x41: {  	_ =	shalt  }
0x42: {  	_ =	shalt  }
0x43: {  	_ =	shalt  }
0x44: {  	_ =	shalt  }
0x45: {  	_ =	shalt  }
0x46: {  	_ =	shalt  }
0x47: {  	_ =	shalt  }
0x48: {  	_ =	shalt  }
0x49: {  	_ =	shalt  }
0x4a: {  	_ =	shalt  }
0x4b: {  	_ =	shalt  }
0x4c: {  	_ =	shalt  }
0x4d: {  	_ =	shalt  }
0x4e: {  	_ =	shalt  }
0x4f: {  	_ =	shalt  }
0x50: {  	_ =	shalt  }
0x51: {  	_ =	shalt  }
0x52: {  	_ =	shalt  }
0x53: {  	_ =	shalt  }
0x54: {  	_ =	shalt  }
0x55: {  	_ =	shalt  }
0x56: {  	_ =	shalt  }
0x57: {  	_ =	shalt  }
0x58: {  	_ =	shalt  }
0x59: {  	_ =	shalt  }
0x5a: {  	_ =	shalt  }
0x5b: {  	_ =	shalt  }
0x5c: {  	_ =	shalt  }
0x5d: {  	_ =	shalt  }
0x5e: {  	_ =	shalt  }
0x5f: {  	_ =	shalt  }
0x60: {  	_ =	shalt  }
0x61: {  	_ =	shalt  }
0x62: {  	_ =	shalt  }
0x63: {  	_ =	shalt  }
0x64: {  	_ =	shalt  }
0x65: {  	_ =	shalt  }
0x66: {  	_ =	shalt  }
0x67: {  	_ =	shalt  }
0x68: {  	_ =	shalt  }
0x69: {  	_ =	shalt  }
0x6a: {  	_ =	shalt  }
0x6b: {  	_ =	shalt  }
0x6c: {  	_ =	shalt  }
0x6d: {  	_ =	shalt  }
0x6e: {  	_ =	shalt  }
0x6f: {  	_ =	shalt  }
0x70: {  	_ =	shalt  }
0x71: {  	_ =	shalt  }
0x72: {  	_ =	shalt  }
0x73: {  	_ =	shalt  }
0x74: {  	_ =	shalt  }
0x75: {  	_ =	shalt  }
0x76: {  	_ =	shalt  }
0x77: {  	_ =	shalt  }
0x78: {  	_ =	shalt  }
0x79: {  	_ =	shalt  }
0x7a: {  	_ =	shalt  }
0x7b: {  	_ =	shalt  }
0x7c: {  	_ =	shalt  }
0x7d: {  	_ =	shalt  }
0x7e: {  	_ =	shalt  }
0x7f: {  	_ =	shalt  }
0x80: {  	_ =	shalt  }
0x81: {  	_ =	shalt  }
0x82: {  	_ =	shalt  }
0x83: {  	_ =	shalt  }
0x84: {  	_ =	shalt  }
0x85: {  	_ =	shalt  }
0x86: {  	_ =	shalt  }
0x87: {  	_ =	shalt  }
.Lfunc_end0:
.L_simem_size_0:
called_computation_lowered:
.L_overlay_start_0:
0x88: {  	s2 =	sld [smem:$0x3FD9]  }
0x89: {  	s3 =	sld [smem:$0x3FFE];
	_ =	sdelay $0x1  }
0x8a: {  	s1 =	srdreg.scid  }
0x8b: {  	s0 =	sand.u32 $0x1, s1  }
0x8c: {  	s17 =	sshll.u32 s0, $0xA;
	s2 =	sadd.s32 s3, s2  }
0x8d: {  	s2 =	sadd.s32 s2, s17  }
0x8e: {  	[smem:$0x3FC6] =	sst s2  }
0x8f: {  	_ = 	snop  }
0x90: {  	s2 =	sld [smem:$0x3FC9]  }
0x91: {  	s18 =	sld [smem:$0x3FC8];
	(tm) =	ssettm $0x1  }
0x92: {  	s4 =	sld [smem:$0x3FFB];
	_ =	sdelay $0x3  }
0x93: {  	_ =	strace s4  }
0x94: {  	s4 =	sld [smem:$0x3FFC];
	_ =	sdelay $0x3  }
0x95: {  	_ =	strace s4  }
0x96: {  	s4 =	sld [smem:$0x3FFD];
	_ =	sdelay $0x3  }
0x97: {  	_ =	strace s4  }
0x98: {  	_ =	strace $0x8FFFFFFF  }
0x99: {  	s19 =	sld [smem:$0x3FDB];
	_ =	sdelay $0x1  }
0x9a: {  	s5 =	simm.s32 $_scs_section_size  }
0x9b: {  	s6 =	simm.s32 $_size__tile_overlayer_lowered;
	s7 =	simm.s32 $_tile_overlayer_lowered  }
0x9c: {  	s22 =	simm.s32 $0x1BFF;
	s21 =	sshll.u32 s7, $0x1;
	s4 =	sadd.s32 s5, s19  }
0x9d: {  	s8 =	simm.s32 $0x0;
	s20 =	sshll.u32 s6, $0x1;
	s6 =	sadd.s32 s21, s4  }
0x9e: {  	[timem:s8], [sflag:s22] =	dma.local [hbm:s6], s20  }
0x9f: {  	_ =	swait.ge [sflag:s22], s20  }
0xa0: {  	s5 =	ssub.s32 $0x0, s20;
	[sflag:s22] =	ssyncset.done $0x0  }
0xa1: {  	[sflag:s22] =	ssyncadd.s32 s5;
	_ =	sdelay $0x1  }
0xa2: {  	s23 =	simm.s32 $0x1B8B  }
0xa3: {  	_ =	swait.ge [sflag:s23], $0x1  }
0xa4: {  	[sflag:s23] =	ssyncset.done $0x0  }
0xa5: {  	s25 =	simm.s32 $0x1B8E;
	s24 =	sld [smem:$0x3FFE];
	[sflag:s23] =	ssyncadd.s32 $0xFFFFFFFF  }
0xa6: {  	s26 =	simm.s32 $execute0_lowered;
	[smem:$0x3FD2] =	sst s25  }
0xa7: {  	s6 =	sshll.u32 s26, $0x1;
	_ =	strace $0x80000046;
	[dreg:$0x1] =	wrdreg $0xFFFFFFFF  }
0xa8: {  	s28 =	simm.s32 $_size_execute0_lowered;
	s4 =	sadd.s32 s4, s6;
	[dreg:$0x0] =	wrdreg $0x0  }
0xa9: {  	s6 =	sshll.u32 s28, $0x1;
	[dreg:$0x2] =	wrdreg s4  }
0xaa: {  	[dreg:$0x3] =	wrdreg s6  }
0xab: {  	[dreg:$0x4] =	wrdreg $0xC0  }
0xac: {  	_ =	task [dreg:s8], $0x5FFFF  }
0xad: {  	[dreg:$0x1] =	wrdreg $0xFFFFFFFF  }
0xae: {  	[dreg:$0x0] =	wrdreg $0x60  }
0xaf: {  	[dreg:$0x2] =	wrdreg s2  }
0xb0: {  	[dreg:$0x3] =	wrdreg s18  }
0xb1: {  	[dreg:$0x4] =	wrdreg s24  }
0xb2: {  	[dreg:$0x5] =	wrdreg $0x9  }
0xb3: {  	_ =	task.clear_ibuf [dreg:s8], $0x6FFFF;
	_ =	strace $0x90000046  }
0xb4: {  	s29 =	simm.s32 $0x9;
	_ =	strace $0x80000048  }
0xb5: {  	_ =	swait.ge [sflag:s29], $0x1  }
0xb6: {  	[sflag:s29] =	ssyncadd.s32 $0xFFFFFFFF  }
0xb7: {  	_ =	strace $0x90000048  }
0xb8: {  	_ =	sfence  }
0xb9: {  	s30 =	sld [smem:$0x0];
	_ =	sdelay $0x2  }
0xba: {  	s31 =	sshll.u32 s1, $0xD;
	s1 =	sshrl.u32 s1, $0x2  }
0xbb: {  	s3 =	sand.u32 $0x4000, s31;
	s1 =	sadd.s32 s1, s30  }
0xbc: {  	s0 =	sor.u32 s3, s0;
	s1 =	sshll.u32 s1, $0x11  }
0xbd: {  	s0 =	sor.u32 s1, s0  }
0xbe: {  	s0 =	sadd.s32 $0x8F2B, s0  }
0xbf: {  	[sflag:s0] =	ssyncadd.remote.s32 $0x1  }
0xc0: {  	_ =	sfence.sel $0xFFFF  }
0xc1: {  	[dreg:$0x0] =	wrdreg $0xFFFFFFFF;
	(pc) =	sbr.abs _section_cstart, $3  }
0xc2: {  	[dreg:$0x1] =	wrdreg $0xFFFFFFFF  }
0xc3: {  	_ =	task.clear_ibuf [dreg:s8], $0x2FFFF;
	_ =	strace $0x9FFFFFFF  }
0xc4: {  	(tm) =	ssettm $0x7FFFFFFF  }
0xc5: {  	_ =	shalt  }
tec
execute0_lowered:
.L_overlay_start_1:
0x0: {  	(tag) =	ssettag $0x1  }
0x1: {  	s2 =	rddreg [dreg:$0x0]  }
0x2: {  	s3 =	rddreg [dreg:$0x1]  }
0x3: {  	s5 =	rddreg [dreg:$0x2]  }
0x4: {  	s1 =	stileid.u32;
	s4 =	srdreg.scid  }
0x5: {  	s0 =	rddreg [dreg:$0x3];
	v0 =	vlaneseq.u32;
	s11 =	simm.s32 $0x10000;
	s12 =	simm.s32 $0x2  }
0x6: {  	s13 =	simm.s32 $0x80;
	s14 =	simm.s32 $0x400;
	s15 =	simm.s32 $0x11000;
	v1 =	vand.u32 $0x7, v0  }
0x7: {  	s16 =	simm.s32 $0x3;
	s6 =	sand.u32 $0x1, s4;
	s7 =	sshll.u32 s1, $0x1;
	v4 =	vmul.u32 $0x10, v1  }
0x8: {  	s4 =	simm.s32 $0x0;
	s8 =	sshll.u32 s1, $0x6;
	s7 =	sor.u32 s6, s7;
	v1 =	vmul.u32 $0x10, v0  }
0x9: {  	v2 =	vimm.f32 $0.0e+00;
	v3 =	vimm.f32 $1.000000000e+00;
	[smem:$0x7FF] =	sst s4;
	s8 =	sand.u32 $0x300, s8;
	s6 =	ssub.s32 $0x2, s6;
	v4 =	vor.u32 $0xFFFFFF80, v4  }
0xa: {  	s9 =	smul.u32 $0xC0000, s7;
	_ =	strace $0x80000047;
	s7 =	sshll.u32 s7, $0x4;
	v5 =	vor.u32 $0x1, v1;
	v6 =	vor.u32 $0x2, v1;
	v7 =	vor.u32 $0x3, v1  }
0xb: {  	s8 =	sadd.s32 s8, s5;
	s30 =	sshrl.u32 s6, $0x1;
	s7 =	sand.u32 $0x70, s7;
	v8 =	vor.u32 $0x4, v1;
	v9 =	vor.u32 $0x5, v1;
	v10 =	vor.u32 $0x6, v1  }
0xc: {  	s31 =	ssub.s32 s6, s30;
	v11 =	vor.u32 $0x7, v1;
	v12 =	vor.u32 $0x8, v1;
	v13 =	vor.u32 $0x9, v1;
	s5 =	sadd.s32 $0x40000, s9;
	s7 =	sadd.s32 s7, s8  }
0xd: {  	v14 =	vor.u32 $0xA, v1;
	v15 =	vor.u32 $0xB, v1;
	v16 =	vor.u32 $0xC, v1;
	s8 =	smax.u32 s31, $0x1;
	s9 =	simm.s32 $0x8000;
	s10 =	sshrl.u32 s5, $0x3  }
0xe: {  	v17 =	vor.u32 $0xD, v1;
	v18 =	vor.u32 $0xE, v1;
	v19 =	vor.u32 $0xF, v1;
	s7 =	sadd.s32 $0x600, s7;
	s6 =	sadd.s32 s2, s10;
	s10 =	simm.s32 $0x1  }
.LBB2_1:
0xf: {  	s17 =	simm.s32 $0x40;
	s18 =	simm.s32 $0x0  }
.LBB2_2:
0x10: {  	p0 =	sne.s32 s17, $0x3FC0;
	[tilespmem:s18+$0x10000] =	vst v2;
	s18 =	smov.u32 s17;
	s17 =	sadd.s32 $0x40, s17  }
.Ltmp0:
0x11: {  	(pc) =	sbr.rel @p0 .LBB2_2-.Ltmp0, $2  }
0x12: {  	_ =	sdelay $0x2  }
0x13: {  	s18 =	sshra.s32 s18, $0x2  }
0x14: {  	[tilespmem:s18+$0x10000] =	vst v2;
	s17 =	simm.s32 $0x0;
	s18 =	simm.s32 $0x0  }
0x15: {  	[tilespmem:s17], [sflag:$0x1] =	stream.linear.gather [hbm4b:s6+s17], $0x8000, $0x38;
	[tilespmem:$0x11100] =	vst v63  }
.LBB2_4:
0x16: {  	s19 =	sshrl.u32 s18, $0x3  }
0x17: {  	s20 =	sshll.u32 s18, $0xF;
	s21 =	sshll.u32 s19, $0x12  }
0x18: {  	s22 =	sand.u32 $0x38000, s20;
	s21 =	sadd.s32 s21, s5  }
0x19: {  	s21 =	sor.u32 s22, s21  }
0x1a: {  	s21 =	sshrl.u32 s21, $0x3  }
0x1b: {  	s30 =	simm.s32 $0x0;
	s31 =	sand.u32 $0x800, s17;
	s21 =	sadd.s32 s3, s21  }
0x1c: {  	[tilespmem:s9], [sflag:$0x2] =	stream.linear.gather [hbm4b:s21+s17], $0x8000, $0x38;
	[tilespmem:$0x11100] =	vst v63  }
0x1d: {  	s23 =	simm.s32 $0x0;
	s21 =	sand.u32 $0x7000, s30;
	_ =	swait.ge [sflag:s10], $0x8000  }
0x1e: {  	s23 =	sand.u32 $0x380, s23;
	s21 =	sor.u32 s31, s21;
	[sflag:s10] =	ssyncset.done $0x0  }
0x1f: {  	s21 =	sor.u32 s23, s21;
	[sflag:s10] =	ssyncadd.s32 $0xFFFF8000  }
0x20: {  	v20 =	vld [tilespmem:s21+$0x470]  }
0x21: {  	v21 =	vld [tilespmem:s21+$0x0]  }
0x22: {  	v22 =	vld [tilespmem:s21+$0x10]  }
0x23: {  	v23 =	vld [tilespmem:s21+$0x20]  }
0x24: {  	v24 =	vld [tilespmem:s21+$0x30]  }
0x25: {  	v25 =	vld [tilespmem:s21+$0x40]  }
0x26: {  	v26 =	vld [tilespmem:s21+$0x50]  }
0x27: {  	v27 =	vld [tilespmem:s21+$0x60]  }
0x28: {  	v29 =	vld [tilespmem:s21+$0x70]  }
0x29: {  	v30 =	vld [tilespmem:s21+$0x400]  }
0x2a: {  	v31 =	vld [tilespmem:s21+$0x410];
	v20 =	vmul.f32 $5.000000000e-01, v20;
	v21 =	vmul.f32 $5.000000000e-01, v21  }
0x2b: {  	v32 =	vld [tilespmem:s21+$0x420];
	v22 =	vmul.f32 $5.000000000e-01, v22;
	v23 =	vmul.f32 $5.000000000e-01, v23  }
0x2c: {  	v33 =	vld [tilespmem:s21+$0x430];
	v24 =	vmul.f32 $5.000000000e-01, v24;
	v25 =	vmul.f32 $5.000000000e-01, v25  }
0x2d: {  	v34 =	vld [tilespmem:s21+$0x440];
	v26 =	vmul.f32 $5.000000000e-01, v26;
	v27 =	vmul.f32 $5.000000000e-01, v27  }
0x2e: {  	v35 =	vld [tilespmem:s21+$0x450];
	v29 =	vmul.f32 $5.000000000e-01, v29;
	v30 =	vmul.f32 $5.000000000e-01, v30  }
0x2f: {  	v36 =	vld [tilespmem:s21+$0x460];
	v31 =	vmul.f32 $5.000000000e-01, v31;
	v28 =	vadd.f32 $1.500000000e+00, v20;
	v21 =	vadd.f32 $1.500000000e+00, v21  }
0x30: {  	v32 =	vmul.f32 $5.000000000e-01, v32;
	v22 =	vadd.f32 $1.500000000e+00, v22;
	v23 =	vadd.f32 $1.500000000e+00, v23  }
0x31: {  	v33 =	vmul.f32 $5.000000000e-01, v33;
	v24 =	vadd.f32 $1.500000000e+00, v24;
	v25 =	vadd.f32 $1.500000000e+00, v25  }
0x32: {  	v34 =	vmul.f32 $5.000000000e-01, v34;
	v26 =	vadd.f32 $1.500000000e+00, v26;
	v27 =	vadd.f32 $1.500000000e+00, v27  }
0x33: {  	v35 =	vmul.f32 $5.000000000e-01, v35;
	v29 =	vadd.f32 $1.500000000e+00, v29;
	v30 =	vadd.f32 $1.500000000e+00, v30  }
0x34: {  	s19 =	sshll.u32 s19, $0xA;
	v36 =	vmul.f32 $5.000000000e-01, v36;
	v31 =	vadd.f32 $1.500000000e+00, v31;
	v32 =	vadd.f32 $1.500000000e+00, v32  }
0x35: {  	v20 =	vor.u32 s19, v0;
	v33 =	vadd.f32 $1.500000000e+00, v33;
	v34 =	vadd.f32 $1.500000000e+00, v34  }
0x36: {  	v35 =	vadd.f32 $1.500000000e+00, v35;
	v36 =	vadd.f32 $1.500000000e+00, v36;
	v28 =	vmax.f32 v28, $1.000000000e+00  }
0x37: {  	v21 =	vmax.f32 v21, $1.000000000e+00;
	v22 =	vmax.f32 v22, $1.000000000e+00;
	v23 =	vmax.f32 v23, $1.000000000e+00  }
0x38: {  	v24 =	vmax.f32 v24, $1.000000000e+00;
	v25 =	vmax.f32 v25, $1.000000000e+00;
	v26 =	vmax.f32 v26, $1.000000000e+00  }
0x39: {  	v27 =	vmax.f32 v27, $1.000000000e+00;
	v29 =	vmax.f32 v29, $1.000000000e+00;
	v30 =	vmax.f32 v30, $1.000000000e+00  }
0x3a: {  	v31 =	vmax.f32 v31, $1.000000000e+00;
	v32 =	vmax.f32 v32, $1.000000000e+00;
	v33 =	vmax.f32 v33, $1.000000000e+00  }
0x3b: {  	v34 =	vmax.f32 v34, $1.000000000e+00;
	v35 =	vmax.f32 v35, $1.000000000e+00;
	v36 =	vmax.f32 v36, $1.000000000e+00  }
0x3c: {  	v28 =	vmin.f32 v28, $1.999023440e+00;
	v21 =	vmin.f32 v21, $1.999023440e+00;
	v37 =	vmin.f32 v22, $1.999023440e+00  }
0x3d: {  	v38 =	vmin.f32 v23, $1.999023440e+00;
	v39 =	vmin.f32 v24, $1.999023440e+00;
	v25 =	vmin.f32 v25, $1.999023440e+00  }
0x3e: {  	v26 =	vmin.f32 v26, $1.999023440e+00;
	v27 =	vmin.f32 v27, $1.999023440e+00;
	v28 =	vshrl.u32 v28, $0xD  }
0x3f: {  	v40 =	vmin.f32 v29, $1.999023440e+00;
	v41 =	vmin.f32 v30, $1.999023440e+00;
	v28 =	vand.u32 $0x3F0, v28  }
0x40: {  	v42 =	vmin.f32 v31, $1.999023440e+00;
	v43 =	vmin.f32 v32, $1.999023440e+00;
	v28 =	vor.u32 v20, v28  }
0x41: {  	v24 =	vmin.f32 v33, $1.999023440e+00;
	v23 =	vmin.f32 v34, $1.999023440e+00;
	v22 =	vmin.f32 v35, $1.999023440e+00  }
0x42: {  	v34 =	vshrl.u32 v21, $0xD;
	v35 =	vshrl.u32 v37, $0xD;
	v21 =	vmin.f32 v36, $1.999023440e+00  }
0x43: {  	v33 =	vshrl.u32 v38, $0xD;
	v32 =	vshrl.u32 v39, $0xD;
	v31 =	vshrl.u32 v25, $0xD  }
0x44: {  	v30 =	vshrl.u32 v26, $0xD;
	v29 =	vshrl.u32 v27, $0xD;
	v27 =	vshrl.u32 v40, $0xD  }
0x45: {  	s22 =	simm.s32 $0x0;
	s21 =	simm.s32 $0x0;
	v26 =	vshrl.u32 v42, $0xD;
	v25 =	vshrl.u32 v43, $0xD;
	[tilespmem:v28+s11+$0x0] =	vst.idx.add.f32.msk $0xffff, v3;
	v28 =	vshrl.u32 v41, $0xD  }
.LBB2_5:
0x46: {  	s21 =	sadd.s32 $0x10, s21;
	v24 =	vshrl.u32 v24, $0xD;
	v23 =	vshrl.u32 v23, $0xD;
	v22 =	vshrl.u32 v22, $0xD  }
0x47: {  	v34 =	vand.u32 $0x3F0, v34;
	v35 =	vand.u32 $0x3F0, v35;
	v21 =	vshrl.u32 v21, $0xD;
	s22 =	sadd.s32 $0x800, s22;
	s23 =	sshll.u32 s21, $0x4;
	p0 =	slt.u32 s21, $0x7F0  }
0x48: {  	v33 =	vand.u32 $0x3F0, v33;
	v32 =	vand.u32 $0x3F0, v32;
	v31 =	vand.u32 $0x3F0, v31;
	s24 =	sand.u32 $0x800, s22;
	s25 =	sshll.u32 s21, $0x2;
	s23 =	sand.u32 $0x7000, s23  }
0x49: {  	v30 =	vand.u32 $0x3F0, v30;
	v29 =	vand.u32 $0x3F0, v29;
	v27 =	vand.u32 $0x3F0, v27;
	s25 =	sand.u32 $0x380, s25;
	s23 =	sor.u32 s24, s23  }
0x4a: {  	v28 =	vand.u32 $0x3F0, v28;
	v26 =	vand.u32 $0x3F0, v26;
	v25 =	vand.u32 $0x3F0, v25;
	s23 =	sor.u32 s25, s23  }
0x4b: {  	v24 =	vand.u32 $0x3F0, v24;
	v23 =	vand.u32 $0x3F0, v23;
	v22 =	vand.u32 $0x3F0, v22;
	v36 =	vld [tilespmem:s23+$0x470]  }
0x4c: {  	v34 =	vor.u32 v20, v34;
	v35 =	vor.u32 v20, v35;
	v21 =	vand.u32 $0x3F0, v21;
	v37 =	vld [tilespmem:s23+$0x0]  }
0x4d: {  	v33 =	vor.u32 v20, v33;
	v32 =	vor.u32 v20, v32;
	v31 =	vor.u32 v20, v31;
	v38 =	vld [tilespmem:s23+$0x10]  }
0x4e: {  	v30 =	vor.u32 v20, v30;
	v29 =	vor.u32 v20, v29;
	v27 =	vor.u32 v20, v27;
	v39 =	vld [tilespmem:s23+$0x20]  }
0x4f: {  	v28 =	vor.u32 v20, v28;
	v26 =	vor.u32 v20, v26;
	v25 =	vor.u32 v20, v25;
	v40 =	vld [tilespmem:s23+$0x30]  }
0x50: {  	v42 =	vor.u32 v20, v24;
	v43 =	vor.u32 v20, v23;
	v41 =	vld [tilespmem:s23+$0x40];
	v36 =	vmul.f32 $5.000000000e-01, v36  }
0x51: {  	v44 =	vor.u32 v20, v21;
	v23 =	vmul.f32 $5.000000000e-01, v37;
	v24 =	vld [tilespmem:s23+$0x50];
	v37 =	vor.u32 v20, v22  }
0x52: {  	v21 =	vmul.f32 $5.000000000e-01, v38;
	v22 =	vld [tilespmem:s23+$0x60];
	v36 =	vadd.f32 $1.500000000e+00, v36  }
0x53: {  	v23 =	vadd.f32 $1.500000000e+00, v23;
	v38 =	vmul.f32 $5.000000000e-01, v39;
	v39 =	vld [tilespmem:s23+$0x70]  }
0x54: {  	v21 =	vadd.f32 $1.500000000e+00, v21;
	v40 =	vmul.f32 $5.000000000e-01, v40;
	v45 =	vld [tilespmem:s23+$0x400];
	v36 =	vmax.f32 v36, $1.000000000e+00  }
0x55: {  	v38 =	vadd.f32 $1.500000000e+00, v38;
	v41 =	vmul.f32 $5.000000000e-01, v41;
	v46 =	vld [tilespmem:s23+$0x410];
	v36 =	vmin.f32 v36, $1.999023440e+00  }
0x56: {  	v40 =	vadd.f32 $1.500000000e+00, v40;
	v24 =	vmul.f32 $5.000000000e-01, v24;
	v47 =	vld [tilespmem:s23+$0x420];
	v36 =	vshrl.u32 v36, $0xD  }
0x57: {  	v41 =	vadd.f32 $1.500000000e+00, v41;
	v22 =	vmul.f32 $5.000000000e-01, v22;
	v48 =	vld [tilespmem:s23+$0x430];
	v36 =	vand.u32 $0x3F0, v36  }
0x58: {  	v24 =	vadd.f32 $1.500000000e+00, v24;
	v39 =	vmul.f32 $5.000000000e-01, v39;
	v49 =	vld [tilespmem:s23+$0x440];
	v36 =	vor.u32 v20, v36  }
0x59: {  	v23 =	vmax.f32 v23, $1.000000000e+00;
	v22 =	vadd.f32 $1.500000000e+00, v22;
	v45 =	vmul.f32 $5.000000000e-01, v45;
	v50 =	vld [tilespmem:s23+$0x450]  }
0x5a: {  	v21 =	vmax.f32 v21, $1.000000000e+00;
	v39 =	vadd.f32 $1.500000000e+00, v39;
	v46 =	vmul.f32 $5.000000000e-01, v46;
	v51 =	vld [tilespmem:s23+$0x460]  }
0x5b: {  	v38 =	vmax.f32 v38, $1.000000000e+00;
	v45 =	vadd.f32 $1.500000000e+00, v45;
	v47 =	vmul.f32 $5.000000000e-01, v47;
	[tilespmem:v34+s11+$0x0] =	vst.idx.add.f32.msk $0xffff, v3  }
0x5c: {  	v34 =	vmax.f32 v40, $1.000000000e+00;
	v40 =	vadd.f32 $1.500000000e+00, v46;
	v46 =	vmul.f32 $5.000000000e-01, v48;
	[tilespmem:v35+s11+$0x0] =	vst.idx.add.f32.msk $0xffff, v3  }
0x5d: {  	v35 =	vmax.f32 v41, $1.000000000e+00;
	v41 =	vadd.f32 $1.500000000e+00, v47;
	v47 =	vmul.f32 $5.000000000e-01, v49;
	[tilespmem:v36+s11+$0x0] =	vst.idx.add.f32.msk $0xffff, v3  }
0x5e: {  	v24 =	vmax.f32 v24, $1.000000000e+00;
	v36 =	vadd.f32 $1.500000000e+00, v46;
	v46 =	vmul.f32 $5.000000000e-01, v50;
	[tilespmem:v33+s11+$0x0] =	vst.idx.add.f32.msk $0xffff, v3  }
0x5f: {  	v22 =	vmax.f32 v22, $1.000000000e+00;
	v33 =	vadd.f32 $1.500000000e+00, v47;
	v47 =	vmul.f32 $5.000000000e-01, v51;
	[tilespmem:v32+s11+$0x0] =	vst.idx.add.f32.msk $0xffff, v3  }
0x60: {  	v32 =	vmax.f32 v39, $1.000000000e+00;
	v39 =	vmax.f32 v45, $1.000000000e+00;
	v45 =	vadd.f32 $1.500000000e+00, v46;
	[tilespmem:v31+s11+$0x0] =	vst.idx.add.f32.msk $0xffff, v3  }
0x61: {  	v31 =	vmax.f32 v40, $1.000000000e+00;
	v40 =	vmax.f32 v41, $1.000000000e+00;
	v41 =	vadd.f32 $1.500000000e+00, v47;
	[tilespmem:v30+s11+$0x0] =	vst.idx.add.f32.msk $0xffff, v3  }
0x62: {  	v30 =	vmax.f32 v36, $1.000000000e+00;
	v33 =	vmax.f32 v33, $1.000000000e+00;
	v36 =	vmax.f32 v45, $1.000000000e+00;
	[tilespmem:v29+s11+$0x0] =	vst.idx.add.f32.msk $0xffff, v3  }
0x63: {  	v21 =	vmin.f32 v21, $1.999023440e+00;
	v29 =	vmin.f32 v23, $1.999023440e+00;
	v41 =	vmax.f32 v41, $1.000000000e+00;
	[tilespmem:v27+s11+$0x0] =	vst.idx.add.f32.msk $0xffff, v3  }
0x64: {  	v45 =	vmin.f32 v35, $1.999023440e+00;
	v27 =	vmin.f32 v38, $1.999023440e+00;
	v38 =	vmin.f32 v34, $1.999023440e+00;
	[tilespmem:v28+s11+$0x0] =	vst.idx.add.f32.msk $0xffff, v3  }
0x65: {  	v46 =	vmin.f32 v22, $1.999023440e+00;
	v47 =	vmin.f32 v32, $1.999023440e+00;
	v28 =	vmin.f32 v24, $1.999023440e+00;
	[tilespmem:v26+s11+$0x0] =	vst.idx.add.f32.msk $0xffff, v3  }
0x66: {  	v40 =	vmin.f32 v40, $1.999023440e+00;
	v26 =	vmin.f32 v39, $1.999023440e+00;
	v39 =	vmin.f32 v31, $1.999023440e+00;
	[tilespmem:v25+s11+$0x0] =	vst.idx.add.f32.msk $0xffff, v3  }
.Ltmp1:
0x67: {  	v23 =	vmin.f32 v33, $1.999023440e+00;
	v22 =	vmin.f32 v36, $1.999023440e+00;
	v24 =	vmin.f32 v30, $1.999023440e+00;
	[tilespmem:v42+s11+$0x0] =	vst.idx.add.f32.msk $0xffff, v3;
	(pc) =	sbr.rel @p0 .LBB2_5-.Ltmp1, $4  }
0x68: {  	v35 =	vshrl.u32 v21, $0xD;
	v34 =	vshrl.u32 v29, $0xD;
	v21 =	vmin.f32 v41, $1.999023440e+00;
	[tilespmem:v43+s11+$0x0] =	vst.idx.add.f32.msk $0xffff, v3  }
0x69: {  	v33 =	vshrl.u32 v27, $0xD;
	v32 =	vshrl.u32 v38, $0xD;
	v31 =	vshrl.u32 v45, $0xD;
	[tilespmem:v37+s11+$0x0] =	vst.idx.add.f32.msk $0xffff, v3  }
0x6a: {  	v29 =	vshrl.u32 v46, $0xD;
	v27 =	vshrl.u32 v47, $0xD;
	v30 =	vshrl.u32 v28, $0xD;
	[tilespmem:v44+s11+$0x0] =	vst.idx.add.f32.msk $0xffff, v3  }
0x6b: {  	v28 =	vshrl.u32 v26, $0xD;
	v26 =	vshrl.u32 v39, $0xD;
	v25 =	vshrl.u32 v40, $0xD  }
0x6c: {  	v34 =	vand.u32 $0x3F0, v34  }
0x6d: {  	v35 =	vand.u32 $0x3F0, v35;
	v34 =	vor.u32 v20, v34  }
0x6e: {  	v33 =	vand.u32 $0x3F0, v33;
	v35 =	vor.u32 v20, v35  }
0x6f: {  	v32 =	vand.u32 $0x3F0, v32;
	v33 =	vor.u32 v20, v33  }
0x70: {  	v31 =	vand.u32 $0x3F0, v31;
	v32 =	vor.u32 v20, v32  }
0x71: {  	v30 =	vand.u32 $0x3F0, v30;
	v31 =	vor.u32 v20, v31  }
0x72: {  	v29 =	vand.u32 $0x3F0, v29;
	v30 =	vor.u32 v20, v30;
	[tilespmem:v34+s11+$0x0] =	vst.idx.add.f32.msk $0xffff, v3  }
0x73: {  	v27 =	vand.u32 $0x3F0, v27;
	v29 =	vor.u32 v20, v29;
	[tilespmem:v35+s11+$0x0] =	vst.idx.add.f32.msk $0xffff, v3  }
0x74: {  	v28 =	vand.u32 $0x3F0, v28;
	v27 =	vor.u32 v20, v27;
	[tilespmem:v33+s11+$0x0] =	vst.idx.add.f32.msk $0xffff, v3  }
0x75: {  	v26 =	vand.u32 $0x3F0, v26;
	v28 =	vor.u32 v20, v28;
	[tilespmem:v32+s11+$0x0] =	vst.idx.add.f32.msk $0xffff, v3  }
0x76: {  	v24 =	vshrl.u32 v24, $0xD;
	v25 =	vand.u32 $0x3F0, v25;
	v26 =	vor.u32 v20, v26;
	[tilespmem:v31+s11+$0x0] =	vst.idx.add.f32.msk $0xffff, v3  }
0x77: {  	v23 =	vshrl.u32 v23, $0xD;
	v24 =	vand.u32 $0x3F0, v24;
	v25 =	vor.u32 v20, v25;
	[tilespmem:v30+s11+$0x0] =	vst.idx.add.f32.msk $0xffff, v3  }
0x78: {  	v22 =	vshrl.u32 v22, $0xD;
	v23 =	vand.u32 $0x3F0, v23;
	v24 =	vor.u32 v20, v24;
	[tilespmem:v29+s11+$0x0] =	vst.idx.add.f32.msk $0xffff, v3  }
0x79: {  	v21 =	vshrl.u32 v21, $0xD;
	v22 =	vand.u32 $0x3F0, v22;
	v23 =	vor.u32 v20, v23;
	[tilespmem:v27+s11+$0x0] =	vst.idx.add.f32.msk $0xffff, v3  }
0x7a: {  	p0 =	seq.s32 s18, $0xF;
	v21 =	vand.u32 $0x3F0, v21;
	v22 =	vor.u32 v20, v22;
	[tilespmem:v28+s11+$0x0] =	vst.idx.add.f32.msk $0xffff, v3  }
0x7b: {  	s20 =	sadd.s32 @!p0 $0x8000, s20;
	v20 =	vor.u32 v20, v21;
	[tilespmem:v26+s11+$0x0] =	vst.idx.add.f32.msk $0xffff, v3  }
0x7c: {  	s21 =	sand.u32 @!p0 $0xC0000, s20;
	[tilespmem:v25+s11+$0x0] =	vst.idx.add.f32.msk $0xffff, v3  }
0x7d: {  	s20 =	sand.u32 @!p0 $0x38000, s20;
	s21 =	sadd.s32 @!p0 s21, s5;
	[tilespmem:v24+s11+$0x0] =	vst.idx.add.f32.msk $0xffff, v3  }
0x7e: {  	s20 =	sor.u32 @!p0 s20, s21;
	[tilespmem:v23+s11+$0x0] =	vst.idx.add.f32.msk $0xffff, v3  }
0x7f: {  	s20 =	sshrl.u32 @!p0 s20, $0x3;
	[tilespmem:v22+s11+$0x0] =	vst.idx.add.f32.msk $0xffff, v3  }
0x80: {  	s21 =	simm.s32 @!p0 $0x0;
	s20 =	sadd.s32 @!p0 s2, s20;
	[tilespmem:v20+s11+$0x0] =	vst.idx.add.f32.msk $0xffff, v3  }
0x81: {  	[tilespmem:s21], [sflag:$0x1] =	stream.linear.gather @!p0 [hbm4b:s20+s21], $0x8000, $0x38;
	[tilespmem:$0x11100] =	vst v63  }
0x82: {  	s31 =	simm.s32 $0x0;
	s23 =	simm.s32 $0x0;
	s20 =	simm.s32 $0x0  }
0x83: {  	s21 =	sand.u32 $0x7000, s31;
	_ =	swait.ge [sflag:s12], $0x8000;
	s22 =	sand.u32 $0x800, s20  }
0x84: {  	s23 =	sand.u32 $0x380, s23;
	[sflag:s12] =	ssyncset.done $0x0;
	s21 =	sor.u32 s22, s21  }
0x85: {  	[sflag:s12] =	ssyncadd.s32 $0xFFFF8000;
	s21 =	sor.u32 s23, s21  }
0x86: {  	v20 =	vld [tilespmem:s21+$0x8470]  }
0x87: {  	v21 =	vld [tilespmem:s21+$0x8000]  }
0x88: {  	v22 =	vld [tilespmem:s21+$0x8010]  }
0x89: {  	v23 =	vld [tilespmem:s21+$0x8020]  }
0x8a: {  	v24 =	vld [tilespmem:s21+$0x8030]  }
0x8b: {  	v25 =	vld [tilespmem:s21+$0x8040]  }
0x8c: {  	v26 =	vld [tilespmem:s21+$0x8050]  }
0x8d: {  	v27 =	vld [tilespmem:s21+$0x8060]  }
0x8e: {  	v29 =	vld [tilespmem:s21+$0x8070]  }
0x8f: {  	v30 =	vld [tilespmem:s21+$0x8400]  }
0x90: {  	v31 =	vld [tilespmem:s21+$0x8410];
	v20 =	vmul.f32 $5.000000000e-01, v20;
	v21 =	vmul.f32 $5.000000000e-01, v21  }
0x91: {  	v60 =	vld [tilespmem:s21+$0x8420];
	v22 =	vmul.f32 $5.000000000e-01, v22;
	v23 =	vmul.f32 $5.000000000e-01, v23  }
0x92: {  	v61 =	vld [tilespmem:s21+$0x8430];
	v24 =	vmul.f32 $5.000000000e-01, v24;
	v25 =	vmul.f32 $5.000000000e-01, v25  }
0x93: {  	v62 =	vld [tilespmem:s21+$0x8440];
	v26 =	vmul.f32 $5.000000000e-01, v26;
	v27 =	vmul.f32 $5.000000000e-01, v27  }
0x94: {  	v63 =	vld [tilespmem:s21+$0x8450];
	v29 =	vmul.f32 $5.000000000e-01, v29;
	v30 =	vmul.f32 $5.000000000e-01, v30  }
0x95: {  	v36 =	vld [tilespmem:s21+$0x8460];
	v31 =	vmul.f32 $5.000000000e-01, v31;
	v28 =	vadd.f32 $1.500000000e+00, v20;
	v21 =	vadd.f32 $1.500000000e+00, v21  }
0x96: {  	v32 =	vmul.f32 $5.000000000e-01, v60;
	v22 =	vadd.f32 $1.500000000e+00, v22;
	v23 =	vadd.f32 $1.500000000e+00, v23  }
0x97: {  	v33 =	vmul.f32 $5.000000000e-01, v61;
	v24 =	vadd.f32 $1.500000000e+00, v24;
	v25 =	vadd.f32 $1.500000000e+00, v25  }
0x98: {  	v34 =	vmul.f32 $5.000000000e-01, v62;
	v26 =	vadd.f32 $1.500000000e+00, v26;
	v27 =	vadd.f32 $1.500000000e+00, v27  }
0x99: {  	v35 =	vmul.f32 $5.000000000e-01, v63;
	v29 =	vadd.f32 $1.500000000e+00, v29;
	v30 =	vadd.f32 $1.500000000e+00, v30  }
0x9a: {  	s19 =	sor.u32 $0x800, s19;
	v36 =	vmul.f32 $5.000000000e-01, v36;
	v31 =	vadd.f32 $1.500000000e+00, v31;
	v32 =	vadd.f32 $1.500000000e+00, v32  }
0x9b: {  	v20 =	vor.u32 s19, v0;
	v33 =	vadd.f32 $1.500000000e+00, v33;
	v34 =	vadd.f32 $1.500000000e+00, v34  }
0x9c: {  	v35 =	vadd.f32 $1.500000000e+00, v35;
	v36 =	vadd.f32 $1.500000000e+00, v36;
	v28 =	vmax.f32 v28, $1.000000000e+00  }
0x9d: {  	v21 =	vmax.f32 v21, $1.000000000e+00;
	v22 =	vmax.f32 v22, $1.000000000e+00;
	v23 =	vmax.f32 v23, $1.000000000e+00  }
0x9e: {  	v24 =	vmax.f32 v24, $1.000000000e+00;
	v25 =	vmax.f32 v25, $1.000000000e+00;
	v26 =	vmax.f32 v26, $1.000000000e+00  }
0x9f: {  	v27 =	vmax.f32 v27, $1.000000000e+00;
	v29 =	vmax.f32 v29, $1.000000000e+00;
	v30 =	vmax.f32 v30, $1.000000000e+00  }
0xa0: {  	v31 =	vmax.f32 v31, $1.000000000e+00;
	v32 =	vmax.f32 v32, $1.000000000e+00;
	v33 =	vmax.f32 v33, $1.000000000e+00  }
0xa1: {  	v34 =	vmax.f32 v34, $1.000000000e+00;
	v35 =	vmax.f32 v35, $1.000000000e+00;
	v36 =	vmax.f32 v36, $1.000000000e+00  }
0xa2: {  	v28 =	vmin.f32 v28, $1.999023440e+00;
	v21 =	vmin.f32 v21, $1.999023440e+00;
	v37 =	vmin.f32 v22, $1.999023440e+00  }
0xa3: {  	v38 =	vmin.f32 v23, $1.999023440e+00;
	v39 =	vmin.f32 v24, $1.999023440e+00;
	v25 =	vmin.f32 v25, $1.999023440e+00  }
0xa4: {  	v26 =	vmin.f32 v26, $1.999023440e+00;
	v27 =	vmin.f32 v27, $1.999023440e+00;
	v28 =	vshrl.u32 v28, $0xD  }
0xa5: {  	v40 =	vmin.f32 v29, $1.999023440e+00;
	v41 =	vmin.f32 v30, $1.999023440e+00;
	v28 =	vand.u32 $0x3F0, v28  }
0xa6: {  	v42 =	vmin.f32 v31, $1.999023440e+00;
	v43 =	vmin.f32 v32, $1.999023440e+00;
	v28 =	vor.u32 v20, v28  }
0xa7: {  	v24 =	vmin.f32 v33, $1.999023440e+00;
	v23 =	vmin.f32 v34, $1.999023440e+00;
	v22 =	vmin.f32 v35, $1.999023440e+00  }
0xa8: {  	v34 =	vshrl.u32 v21, $0xD;
	v35 =	vshrl.u32 v37, $0xD;
	v21 =	vmin.f32 v36, $1.999023440e+00  }
0xa9: {  	v33 =	vshrl.u32 v38, $0xD;
	v32 =	vshrl.u32 v39, $0xD;
	v31 =	vshrl.u32 v25, $0xD  }
0xaa: {  	v30 =	vshrl.u32 v26, $0xD;
	v29 =	vshrl.u32 v27, $0xD;
	v27 =	vshrl.u32 v40, $0xD  }
0xab: {  	s19 =	simm.s32 $0x0;
	v26 =	vshrl.u32 v42, $0xD;
	v25 =	vshrl.u32 v43, $0xD;
	[tilespmem:v28+s11+$0x0] =	vst.idx.add.f32.msk $0xffff, v3;
	v28 =	vshrl.u32 v41, $0xD  }
.LBB2_7:
0xac: {  	s19 =	sadd.s32 $0x10, s19;
	v24 =	vshrl.u32 v24, $0xD;
	v23 =	vshrl.u32 v23, $0xD;
	v22 =	vshrl.u32 v22, $0xD  }
0xad: {  	v34 =	vand.u32 $0x3F0, v34;
	v35 =	vand.u32 $0x3F0, v35;
	v21 =	vshrl.u32 v21, $0xD;
	s20 =	sadd.s32 $0x800, s20;
	s21 =	sshll.u32 s19, $0x4;
	p0 =	slt.u32 s19, $0x7F0  }
0xae: {  	v33 =	vand.u32 $0x3F0, v33;
	v32 =	vand.u32 $0x3F0, v32;
	v31 =	vand.u32 $0x3F0, v31;
	s22 =	sand.u32 $0x800, s20;
	s23 =	sshll.u32 s19, $0x2;
	s21 =	sand.u32 $0x7000, s21  }
0xaf: {  	v30 =	vand.u32 $0x3F0, v30;
	v29 =	vand.u32 $0x3F0, v29;
	v27 =	vand.u32 $0x3F0, v27;
	s23 =	sand.u32 $0x380, s23;
	s21 =	sor.u32 s22, s21  }
0xb0: {  	v28 =	vand.u32 $0x3F0, v28;
	v26 =	vand.u32 $0x3F0, v26;
	v25 =	vand.u32 $0x3F0, v25;
	s21 =	sor.u32 s23, s21  }
0xb1: {  	v24 =	vand.u32 $0x3F0, v24;
	v23 =	vand.u32 $0x3F0, v23;
	v22 =	vand.u32 $0x3F0, v22;
	v36 =	vld [tilespmem:s21+$0x8470]  }
0xb2: {  	v34 =	vor.u32 v20, v34;
	v35 =	vor.u32 v20, v35;
	v21 =	vand.u32 $0x3F0, v21;
	v37 =	vld [tilespmem:s21+$0x8000]  }
0xb3: {  	v33 =	vor.u32 v20, v33;
	v32 =	vor.u32 v20, v32;
	v31 =	vor.u32 v20, v31;
	v38 =	vld [tilespmem:s21+$0x8010]  }
0xb4: {  	v30 =	vor.u32 v20, v30;
	v29 =	vor.u32 v20, v29;
	v27 =	vor.u32 v20, v27;
	v39 =	vld [tilespmem:s21+$0x8020]  }
0xb5: {  	v28 =	vor.u32 v20, v28;
	v26 =	vor.u32 v20, v26;
	v25 =	vor.u32 v20, v25;
	v40 =	vld [tilespmem:s21+$0x8030]  }
0xb6: {  	v42 =	vor.u32 v20, v24;
	v43 =	vor.u32 v20, v23;
	v41 =	vld [tilespmem:s21+$0x8040];
	v36 =	vmul.f32 $5.000000000e-01, v36  }
0xb7: {  	v44 =	vor.u32 v20, v21;
	v23 =	vmul.f32 $5.000000000e-01, v37;
	v24 =	vld [tilespmem:s21+$0x8050];
	v37 =	vor.u32 v20, v22  }
0xb8: {  	v21 =	vmul.f32 $5.000000000e-01, v38;
	v22 =	vld [tilespmem:s21+$0x8060];
	v36 =	vadd.f32 $1.500000000e+00, v36  }
0xb9: {  	v23 =	vadd.f32 $1.500000000e+00, v23;
	v38 =	vmul.f32 $5.000000000e-01, v39;
	v39 =	vld [tilespmem:s21+$0x8070]  }
0xba: {  	v21 =	vadd.f32 $1.500000000e+00, v21;
	v40 =	vmul.f32 $5.000000000e-01, v40;
	v45 =	vld [tilespmem:s21+$0x8400];
	v36 =	vmax.f32 v36, $1.000000000e+00  }
0xbb: {  	v38 =	vadd.f32 $1.500000000e+00, v38;
	v41 =	vmul.f32 $5.000000000e-01, v41;
	v46 =	vld [tilespmem:s21+$0x8410];
	v36 =	vmin.f32 v36, $1.999023440e+00  }
0xbc: {  	v40 =	vadd.f32 $1.500000000e+00, v40;
	v24 =	vmul.f32 $5.000000000e-01, v24;
	v47 =	vld [tilespmem:s21+$0x8420];
	v36 =	vshrl.u32 v36, $0xD  }
0xbd: {  	v41 =	vadd.f32 $1.500000000e+00, v41;
	v22 =	vmul.f32 $5.000000000e-01, v22;
	v48 =	vld [tilespmem:s21+$0x8430];
	v36 =	vand.u32 $0x3F0, v36  }
0xbe: {  	v24 =	vadd.f32 $1.500000000e+00, v24;
	v39 =	vmul.f32 $5.000000000e-01, v39;
	v49 =	vld [tilespmem:s21+$0x8440];
	v36 =	vor.u32 v20, v36  }
0xbf: {  	v23 =	vmax.f32 v23, $1.000000000e+00;
	v22 =	vadd.f32 $1.500000000e+00, v22;
	v45 =	vmul.f32 $5.000000000e-01, v45;
	v50 =	vld [tilespmem:s21+$0x8450]  }
0xc0: {  	v21 =	vmax.f32 v21, $1.000000000e+00;
	v39 =	vadd.f32 $1.500000000e+00, v39;
	v46 =	vmul.f32 $5.000000000e-01, v46;
	v51 =	vld [tilespmem:s21+$0x8460]  }
0xc1: {  	v38 =	vmax.f32 v38, $1.000000000e+00;
	v45 =	vadd.f32 $1.500000000e+00, v45;
	v47 =	vmul.f32 $5.000000000e-01, v47;
	[tilespmem:v34+s11+$0x0] =	vst.idx.add.f32.msk $0xffff, v3  }
0xc2: {  	v34 =	vmax.f32 v40, $1.000000000e+00;
	v40 =	vadd.f32 $1.500000000e+00, v46;
	v46 =	vmul.f32 $5.000000000e-01, v48;
	[tilespmem:v35+s11+$0x0] =	vst.idx.add.f32.msk $0xffff, v3  }
0xc3: {  	v35 =	vmax.f32 v41, $1.000000000e+00;
	v41 =	vadd.f32 $1.500000000e+00, v47;
	v47 =	vmul.f32 $5.000000000e-01, v49;
	[tilespmem:v36+s11+$0x0] =	vst.idx.add.f32.msk $0xffff, v3  }
0xc4: {  	v24 =	vmax.f32 v24, $1.000000000e+00;
	v36 =	vadd.f32 $1.500000000e+00, v46;
	v46 =	vmul.f32 $5.000000000e-01, v50;
	[tilespmem:v33+s11+$0x0] =	vst.idx.add.f32.msk $0xffff, v3  }
0xc5: {  	v22 =	vmax.f32 v22, $1.000000000e+00;
	v33 =	vadd.f32 $1.500000000e+00, v47;
	v47 =	vmul.f32 $5.000000000e-01, v51;
	[tilespmem:v32+s11+$0x0] =	vst.idx.add.f32.msk $0xffff, v3  }
0xc6: {  	v32 =	vmax.f32 v39, $1.000000000e+00;
	v39 =	vmax.f32 v45, $1.000000000e+00;
	v45 =	vadd.f32 $1.500000000e+00, v46;
	[tilespmem:v31+s11+$0x0] =	vst.idx.add.f32.msk $0xffff, v3  }
0xc7: {  	v31 =	vmax.f32 v40, $1.000000000e+00;
	v40 =	vmax.f32 v41, $1.000000000e+00;
	v41 =	vadd.f32 $1.500000000e+00, v47;
	[tilespmem:v30+s11+$0x0] =	vst.idx.add.f32.msk $0xffff, v3  }
0xc8: {  	v30 =	vmax.f32 v36, $1.000000000e+00;
	v33 =	vmax.f32 v33, $1.000000000e+00;
	v36 =	vmax.f32 v45, $1.000000000e+00;
	[tilespmem:v29+s11+$0x0] =	vst.idx.add.f32.msk $0xffff, v3  }
0xc9: {  	v21 =	vmin.f32 v21, $1.999023440e+00;
	v29 =	vmin.f32 v23, $1.999023440e+00;
	v41 =	vmax.f32 v41, $1.000000000e+00;
	[tilespmem:v27+s11+$0x0] =	vst.idx.add.f32.msk $0xffff, v3  }
0xca: {  	v45 =	vmin.f32 v35, $1.999023440e+00;
	v27 =	vmin.f32 v38, $1.999023440e+00;
	v38 =	vmin.f32 v34, $1.999023440e+00;
	[tilespmem:v28+s11+$0x0] =	vst.idx.add.f32.msk $0xffff, v3  }
0xcb: {  	v46 =	vmin.f32 v22, $1.999023440e+00;
	v47 =	vmin.f32 v32, $1.999023440e+00;
	v28 =	vmin.f32 v24, $1.999023440e+00;
	[tilespmem:v26+s11+$0x0] =	vst.idx.add.f32.msk $0xffff, v3  }
0xcc: {  	v40 =	vmin.f32 v40, $1.999023440e+00;
	v26 =	vmin.f32 v39, $1.999023440e+00;
	v39 =	vmin.f32 v31, $1.999023440e+00;
	[tilespmem:v25+s11+$0x0] =	vst.idx.add.f32.msk $0xffff, v3  }
.Ltmp2:
0xcd: {  	v23 =	vmin.f32 v33, $1.999023440e+00;
	v22 =	vmin.f32 v36, $1.999023440e+00;
	v24 =	vmin.f32 v30, $1.999023440e+00;
	[tilespmem:v42+s11+$0x0] =	vst.idx.add.f32.msk $0xffff, v3;
	(pc) =	sbr.rel @p0 .LBB2_7-.Ltmp2, $4  }
0xce: {  	v35 =	vshrl.u32 v21, $0xD;
	v34 =	vshrl.u32 v29, $0xD;
	v21 =	vmin.f32 v41, $1.999023440e+00;
	[tilespmem:v43+s11+$0x0] =	vst.idx.add.f32.msk $0xffff, v3  }
0xcf: {  	v33 =	vshrl.u32 v27, $0xD;
	v32 =	vshrl.u32 v38, $0xD;
	v31 =	vshrl.u32 v45, $0xD;
	[tilespmem:v37+s11+$0x0] =	vst.idx.add.f32.msk $0xffff, v3  }
0xd0: {  	v29 =	vshrl.u32 v46, $0xD;
	v27 =	vshrl.u32 v47, $0xD;
	v30 =	vshrl.u32 v28, $0xD;
	[tilespmem:v44+s11+$0x0] =	vst.idx.add.f32.msk $0xffff, v3  }
0xd1: {  	v28 =	vshrl.u32 v26, $0xD;
	v26 =	vshrl.u32 v39, $0xD;
	v25 =	vshrl.u32 v40, $0xD  }
0xd2: {  	v34 =	vand.u32 $0x3F0, v34  }
0xd3: {  	v35 =	vand.u32 $0x3F0, v35;
	v34 =	vor.u32 v20, v34  }
0xd4: {  	v33 =	vand.u32 $0x3F0, v33;
	v35 =	vor.u32 v20, v35  }
0xd5: {  	v32 =	vand.u32 $0x3F0, v32;
	v33 =	vor.u32 v20, v33  }
0xd6: {  	v31 =	vand.u32 $0x3F0, v31;
	v32 =	vor.u32 v20, v32  }
0xd7: {  	v30 =	vand.u32 $0x3F0, v30;
	v31 =	vor.u32 v20, v31  }
0xd8: {  	v29 =	vand.u32 $0x3F0, v29;
	v30 =	vor.u32 v20, v30;
	[tilespmem:v34+s11+$0x0] =	vst.idx.add.f32.msk $0xffff, v3  }
0xd9: {  	v27 =	vand.u32 $0x3F0, v27;
	v29 =	vor.u32 v20, v29;
	[tilespmem:v35+s11+$0x0] =	vst.idx.add.f32.msk $0xffff, v3  }
0xda: {  	v28 =	vand.u32 $0x3F0, v28;
	v27 =	vor.u32 v20, v27;
	[tilespmem:v33+s11+$0x0] =	vst.idx.add.f32.msk $0xffff, v3  }
0xdb: {  	v26 =	vand.u32 $0x3F0, v26;
	v28 =	vor.u32 v20, v28;
	[tilespmem:v32+s11+$0x0] =	vst.idx.add.f32.msk $0xffff, v3  }
0xdc: {  	v24 =	vshrl.u32 v24, $0xD;
	v25 =	vand.u32 $0x3F0, v25;
	v26 =	vor.u32 v20, v26;
	[tilespmem:v31+s11+$0x0] =	vst.idx.add.f32.msk $0xffff, v3  }
0xdd: {  	v23 =	vshrl.u32 v23, $0xD;
	v24 =	vand.u32 $0x3F0, v24;
	v25 =	vor.u32 v20, v25;
	[tilespmem:v30+s11+$0x0] =	vst.idx.add.f32.msk $0xffff, v3  }
0xde: {  	v22 =	vshrl.u32 v22, $0xD;
	v23 =	vand.u32 $0x3F0, v23;
	v24 =	vor.u32 v20, v24;
	[tilespmem:v29+s11+$0x0] =	vst.idx.add.f32.msk $0xffff, v3  }
0xdf: {  	v21 =	vshrl.u32 v21, $0xD;
	v22 =	vand.u32 $0x3F0, v22;
	v23 =	vor.u32 v20, v23;
	[tilespmem:v27+s11+$0x0] =	vst.idx.add.f32.msk $0xffff, v3  }
0xe0: {  	s18 =	sadd.s32 $0x1, s18;
	v21 =	vand.u32 $0x3F0, v21;
	v22 =	vor.u32 v20, v22;
	[tilespmem:v28+s11+$0x0] =	vst.idx.add.f32.msk $0xffff, v3  }
0xe1: {  	p0 =	sne.s32 s18, $0x10;
	v20 =	vor.u32 v20, v21;
	[tilespmem:v26+s11+$0x0] =	vst.idx.add.f32.msk $0xffff, v3  }
.Ltmp3:
0xe2: {  	[tilespmem:v25+s11+$0x0] =	vst.idx.add.f32.msk $0xffff, v3;
	(pc) =	sbr.rel @p0 .LBB2_4-.Ltmp3, $4  }
0xe3: {  	[tilespmem:v24+s11+$0x0] =	vst.idx.add.f32.msk $0xffff, v3  }
0xe4: {  	[tilespmem:v23+s11+$0x0] =	vst.idx.add.f32.msk $0xffff, v3  }
0xe5: {  	[tilespmem:v22+s11+$0x0] =	vst.idx.add.f32.msk $0xffff, v3  }
0xe6: {  	[tilespmem:v20+s11+$0x0] =	vst.idx.add.f32.msk $0xffff, v3  }
0xe7: {  	s17 =	simm.s32 $0x0  }
0xe8: {  	v20 =	vor.u32 s17, v1  }
0xe9: {  	v20 =	vand.u32 v4, v20;
	_ =	sdelay $0x1  }
0xea: {  	v21 =	vor.u32 s17, v5;
	_ =	sdelay $0x1  }
0xeb: {  	v22 =	vor.u32 s17, v6  }
0xec: {  	v20 =	vld.idx.msk [tilespmem:v20+s11+$0x0], $0xffff  }
0xed: {  	v23 =	vor.u32 s17, v7  }
0xee: {  	v21 =	vld.idx.msk [tilespmem:v21+s11+$0x0], $0xffff  }
0xef: {  	v24 =	vor.u32 s17, v8  }
0xf0: {  	v22 =	vld.idx.msk [tilespmem:v22+s11+$0x0], $0xffff  }
0xf1: {  	v25 =	vor.u32 s17, v9;
	v20 =	vadd.f32 $0.0e+00, v20  }
0xf2: {  	v23 =	vld.idx.msk [tilespmem:v23+s11+$0x0], $0xffff  }
0xf3: {  	v26 =	vor.u32 s17, v10;
	v20 =	vadd.f32 v21, v20  }
0xf4: {  	v21 =	vld.idx.msk [tilespmem:v24+s11+$0x0], $0xffff  }
0xf5: {  	v44 =	vor.u32 s17, v11;
	v20 =	vadd.f32 v22, v20  }
0xf6: {  	v22 =	vld.idx.msk [tilespmem:v25+s11+$0x0], $0xffff  }
0xf7: {  	v45 =	vor.u32 s17, v12;
	v20 =	vadd.f32 v23, v20  }
0xf8: {  	v23 =	vld.idx.msk [tilespmem:v26+s11+$0x0], $0xffff  }
0xf9: {  	v46 =	vor.u32 s17, v13;
	v20 =	vadd.f32 v21, v20  }
0xfa: {  	v21 =	vld.idx.msk [tilespmem:v44+s11+$0x0], $0xffff  }
0xfb: {  	v47 =	vor.u32 s17, v14;
	v20 =	vadd.f32 v22, v20  }
0xfc: {  	v22 =	vld.idx.msk [tilespmem:v45+s11+$0x0], $0xffff  }
0xfd: {  	v48 =	vor.u32 s17, v15;
	v20 =	vadd.f32 v23, v20  }
0xfe: {  	v23 =	vld.idx.msk [tilespmem:v46+s11+$0x0], $0xffff  }
0xff: {  	v49 =	vor.u32 s17, v16;
	v20 =	vadd.f32 v21, v20  }
0x100: {  	v21 =	vld.idx.msk [tilespmem:v47+s11+$0x0], $0xffff  }
0x101: {  	v50 =	vor.u32 s17, v17;
	v20 =	vadd.f32 v22, v20  }
0x102: {  	v22 =	vld.idx.msk [tilespmem:v48+s11+$0x0], $0xffff  }
0x103: {  	v51 =	vor.u32 s17, v18;
	v20 =	vadd.f32 v23, v20  }
0x104: {  	v23 =	vld.idx.msk [tilespmem:v49+s11+$0x0], $0xffff  }
0x105: {  	v52 =	vor.u32 s17, v19;
	v20 =	vadd.f32 v21, v20  }
0x106: {  	v21 =	vld.idx.msk [tilespmem:v50+s11+$0x0], $0xffff  }
0x107: {  	v20 =	vadd.f32 v22, v20  }
0x108: {  	v22 =	vld.idx.msk [tilespmem:v51+s11+$0x0], $0xffff  }
0x109: {  	v20 =	vadd.f32 v23, v20  }
0x10a: {  	v23 =	vld.idx.msk [tilespmem:v52+s11+$0x0], $0xffff  }
0x10b: {  	s18 =	simm.s32 $0x100;
	v20 =	vadd.f32 v21, v20  }
0x10c: {  	v21 =	vor.u32 s18, v1  }
0x10d: {  	v21 =	vand.u32 v4, v21;
	v20 =	vadd.f32 v22, v20;
	_ =	sdelay $0x1  }
0x10e: {  	v22 =	vor.u32 s18, v5;
	v20 =	vadd.f32 v23, v20  }
0x10f: {  	s17 =	simm.s32 $0x11000  }
0x110: {  	v23 =	vor.u32 s18, v6;
	[tilespmem:s17+$0x0] =	vst v20  }
0x111: {  	v20 =	vld.idx.msk [tilespmem:v21+s11+$0x0], $0xffff  }
0x112: {  	v21 =	vor.u32 s18, v7  }
0x113: {  	v22 =	vld.idx.msk [tilespmem:v22+s11+$0x0], $0xffff  }
0x114: {  	v53 =	vor.u32 s18, v8  }
0x115: {  	v23 =	vld.idx.msk [tilespmem:v23+s11+$0x0], $0xffff  }
0x116: {  	v54 =	vor.u32 s18, v9;
	v20 =	vadd.f32 $0.0e+00, v20  }
0x117: {  	v21 =	vld.idx.msk [tilespmem:v21+s11+$0x0], $0xffff  }
0x118: {  	v55 =	vor.u32 s18, v10;
	v20 =	vadd.f32 v22, v20  }
0x119: {  	v22 =	vld.idx.msk [tilespmem:v53+s11+$0x0], $0xffff  }
0x11a: {  	v56 =	vor.u32 s18, v11;
	v20 =	vadd.f32 v23, v20  }
0x11b: {  	v23 =	vld.idx.msk [tilespmem:v54+s11+$0x0], $0xffff  }
0x11c: {  	v57 =	vor.u32 s18, v12;
	v20 =	vadd.f32 v21, v20  }
0x11d: {  	v21 =	vld.idx.msk [tilespmem:v55+s11+$0x0], $0xffff  }
0x11e: {  	v58 =	vor.u32 s18, v13;
	v20 =	vadd.f32 v22, v20  }
0x11f: {  	v22 =	vld.idx.msk [tilespmem:v56+s11+$0x0], $0xffff  }
0x120: {  	v59 =	vor.u32 s18, v14;
	v20 =	vadd.f32 v23, v20  }
0x121: {  	v23 =	vld.idx.msk [tilespmem:v57+s11+$0x0], $0xffff  }
0x122: {  	v60 =	vor.u32 s18, v15;
	v20 =	vadd.f32 v21, v20  }
0x123: {  	v21 =	vld.idx.msk [tilespmem:v58+s11+$0x0], $0xffff  }
0x124: {  	v61 =	vor.u32 s18, v16;
	v20 =	vadd.f32 v22, v20  }
0x125: {  	v22 =	vld.idx.msk [tilespmem:v59+s11+$0x0], $0xffff  }
0x126: {  	v20 =	vadd.f32 v23, v20  }
0x127: {  	v62 =	vor.u32 s18, v17;
	v23 =	vld.idx.msk [tilespmem:v60+s11+$0x0], $0xffff  }
0x128: {  	v20 =	vadd.f32 v21, v20  }
0x129: {  	v63 =	vor.u32 s18, v18;
	v21 =	vld.idx.msk [tilespmem:v61+s11+$0x0], $0xffff  }
0x12a: {  	v20 =	vadd.f32 v22, v20  }
0x12b: {  	v22 =	vor.u32 s18, v19  }
0x12c: {  	v24 =	vld.idx.msk [tilespmem:v62+s11+$0x0], $0xffff;
	v20 =	vadd.f32 v23, v20;
	_ =	sdelay $0x1  }
0x12d: {  	v23 =	vadd.f32 v21, v20;
	v21 =	vld.idx.msk [tilespmem:v63+s11+$0x0], $0xffff;
	_ =	sdelay $0x1  }
0x12e: {  	v20 =	vld.idx.msk [tilespmem:v22+s11+$0x0], $0xffff  }
0x12f: {  	s18 =	simm.s32 $0x200;
	v22 =	vadd.f32 v24, v23  }
0x130: {  	s19 =	simm.s32 $0x300;
	v23 =	vor.u32 s18, v1  }
.LBB2_10:
0x131: {  	p0 =	sne.s32 s19, $0xF00;
	v23 =	vand.u32 v4, v23;
	v21 =	vadd.f32 v21, v22;
	_ =	sdelay $0x1  }
0x132: {  	v22 =	vor.u32 s18, v5;
	v20 =	vadd.f32 v20, v21  }
0x133: {  	s17 =	sadd.s32 $0x10, s17  }
0x134: {  	v21 =	vor.u32 s18, v6;
	[tilespmem:s17+$0x0] =	vst v20  }
0x135: {  	v20 =	vld.idx.msk [tilespmem:v23+s11+$0x0], $0xffff  }
0x136: {  	v23 =	vor.u32 s18, v7  }
0x137: {  	v22 =	vld.idx.msk [tilespmem:v22+s11+$0x0], $0xffff  }
0x138: {  	v24 =	vor.u32 s18, v8  }
0x139: {  	v21 =	vld.idx.msk [tilespmem:v21+s11+$0x0], $0xffff  }
0x13a: {  	v25 =	vor.u32 s18, v9  }
0x13b: {  	v20 =	vadd.f32 $0.0e+00, v20;
	v23 =	vld.idx.msk [tilespmem:v23+s11+$0x0], $0xffff  }
0x13c: {  	v26 =	vor.u32 s18, v10  }
0x13d: {  	v20 =	vadd.f32 v22, v20;
	v22 =	vld.idx.msk [tilespmem:v24+s11+$0x0], $0xffff  }
0x13e: {  	v24 =	vor.u32 s18, v11  }
0x13f: {  	v20 =	vadd.f32 v21, v20;
	v21 =	vld.idx.msk [tilespmem:v25+s11+$0x0], $0xffff  }
0x140: {  	v25 =	vor.u32 s18, v12  }
0x141: {  	v20 =	vadd.f32 v23, v20;
	v23 =	vld.idx.msk [tilespmem:v26+s11+$0x0], $0xffff  }
0x142: {  	v26 =	vor.u32 s18, v13  }
0x143: {  	v20 =	vadd.f32 v22, v20;
	v22 =	vld.idx.msk [tilespmem:v24+s11+$0x0], $0xffff  }
0x144: {  	v24 =	vor.u32 s18, v14  }
0x145: {  	v20 =	vadd.f32 v21, v20;
	v21 =	vld.idx.msk [tilespmem:v25+s11+$0x0], $0xffff  }
0x146: {  	v25 =	vor.u32 s18, v15  }
0x147: {  	v20 =	vadd.f32 v23, v20;
	v23 =	vld.idx.msk [tilespmem:v26+s11+$0x0], $0xffff  }
0x148: {  	v26 =	vor.u32 s18, v16  }
0x149: {  	v20 =	vadd.f32 v22, v20;
	v22 =	vld.idx.msk [tilespmem:v24+s11+$0x0], $0xffff  }
0x14a: {  	v24 =	vor.u32 s18, v17  }
0x14b: {  	v20 =	vadd.f32 v21, v20;
	v21 =	vld.idx.msk [tilespmem:v25+s11+$0x0], $0xffff  }
0x14c: {  	v25 =	vor.u32 s18, v18  }
0x14d: {  	v20 =	vadd.f32 v23, v20;
	v23 =	vld.idx.msk [tilespmem:v26+s11+$0x0], $0xffff  }
0x14e: {  	v26 =	vor.u32 s18, v19;
	s18 =	smov.u32 s19  }
0x14f: {  	v20 =	vadd.f32 v22, v20;
	v22 =	vld.idx.msk [tilespmem:v24+s11+$0x0], $0xffff;
	_ =	sdelay $0x1  }
0x150: {  	v20 =	vadd.f32 v21, v20;
	v21 =	vld.idx.msk [tilespmem:v25+s11+$0x0], $0xffff  }
.Ltmp4:
0x151: {  	(pc) =	sbr.rel @p0 .LBB2_10-.Ltmp4, $3  }
0x152: {  	v23 =	vadd.f32 v23, v20;
	v20 =	vld.idx.msk [tilespmem:v26+s11+$0x0], $0xffff;
	_ =	sdelay $0x1  }
0x153: {  	v22 =	vadd.f32 v22, v23  }
0x154: {  	s19 =	sadd.s32 $0x100, s19;
	v23 =	vor.u32 s18, v1  }
0x155: {  	v23 =	vand.u32 v4, v23;
	v21 =	vadd.f32 v21, v22;
	_ =	sdelay $0x1  }
0x156: {  	v40 =	vor.u32 s18, v5;
	v20 =	vadd.f32 v20, v21  }
0x157: {  	s17 =	sadd.s32 $0x10, s17  }
0x158: {  	v41 =	vor.u32 s18, v6;
	[tilespmem:s17+$0x0] =	vst v20  }
0x159: {  	v20 =	vld.idx.msk [tilespmem:v23+s11+$0x0], $0xffff  }
0x15a: {  	v42 =	vor.u32 s18, v7  }
0x15b: {  	v22 =	vld.idx.msk [tilespmem:v40+s11+$0x0], $0xffff  }
0x15c: {  	v24 =	vor.u32 s18, v8  }
0x15d: {  	v21 =	vld.idx.msk [tilespmem:v41+s11+$0x0], $0xffff  }
0x15e: {  	v25 =	vor.u32 s18, v9;
	v20 =	vadd.f32 $0.0e+00, v20  }
0x15f: {  	v23 =	vld.idx.msk [tilespmem:v42+s11+$0x0], $0xffff  }
0x160: {  	v26 =	vor.u32 s18, v10;
	v20 =	vadd.f32 v22, v20  }
0x161: {  	v43 =	vld.idx.msk [tilespmem:v24+s11+$0x0], $0xffff  }
0x162: {  	v44 =	vor.u32 s18, v11;
	v20 =	vadd.f32 v21, v20  }
0x163: {  	v45 =	vld.idx.msk [tilespmem:v25+s11+$0x0], $0xffff  }
0x164: {  	v46 =	vor.u32 s18, v12;
	v20 =	vadd.f32 v23, v20  }
0x165: {  	v47 =	vld.idx.msk [tilespmem:v26+s11+$0x0], $0xffff  }
0x166: {  	v48 =	vor.u32 s18, v13;
	v20 =	vadd.f32 v43, v20  }
0x167: {  	v49 =	vld.idx.msk [tilespmem:v44+s11+$0x0], $0xffff  }
0x168: {  	v50 =	vor.u32 s18, v14;
	v20 =	vadd.f32 v45, v20  }
0x169: {  	v51 =	vld.idx.msk [tilespmem:v46+s11+$0x0], $0xffff  }
0x16a: {  	v52 =	vor.u32 s18, v15;
	v20 =	vadd.f32 v47, v20  }
0x16b: {  	v53 =	vld.idx.msk [tilespmem:v48+s11+$0x0], $0xffff  }
0x16c: {  	v54 =	vor.u32 s18, v16;
	v20 =	vadd.f32 v49, v20  }
0x16d: {  	v55 =	vld.idx.msk [tilespmem:v50+s11+$0x0], $0xffff  }
0x16e: {  	v56 =	vor.u32 s18, v17;
	v20 =	vadd.f32 v51, v20  }
0x16f: {  	v57 =	vld.idx.msk [tilespmem:v52+s11+$0x0], $0xffff  }
0x170: {  	v58 =	vor.u32 s18, v18;
	v20 =	vadd.f32 v53, v20  }
0x171: {  	v59 =	vld.idx.msk [tilespmem:v54+s11+$0x0], $0xffff  }
0x172: {  	v60 =	vor.u32 s18, v19;
	v20 =	vadd.f32 v55, v20  }
0x173: {  	v61 =	vld.idx.msk [tilespmem:v56+s11+$0x0], $0xffff  }
0x174: {  	v20 =	vadd.f32 v57, v20  }
0x175: {  	v62 =	vld.idx.msk [tilespmem:v58+s11+$0x0], $0xffff  }
0x176: {  	v20 =	vadd.f32 v59, v20  }
0x177: {  	v63 =	vld.idx.msk [tilespmem:v60+s11+$0x0], $0xffff  }
0x178: {  	v20 =	vadd.f32 v61, v20;
	_ =	sdelay $0x1  }
0x179: {  	v20 =	vadd.f32 v62, v20;
	_ =	sdelay $0x1  }
0x17a: {  	s4 =	sadd.s32 $0x1, s4;
	v20 =	vadd.f32 v63, v20  }
0x17b: {  	p0 =	sne.s32 s4, s8;
	s17 =	sadd.s32 $0x10, s17  }
.Ltmp5:
0x17c: {  	[tilespmem:s17+$0x0] =	vst v20;
	(pc) =	sbr.rel @p0 .LBB2_1-.Ltmp5, $4  }
0x17d: {  	[hbm4b:s7+s13] =	stream.strided.scatter [tilespmem:s15], [sflag:$0x3], $0x100, s14, s13, $0x38;
	[tilespmem:$0x11100] =	vst v63  }
0x17e: {  	_ =	swait.ge [sflag:s16], $0x100  }
0x17f: {  	[sflag:s16] =	ssyncset.done $0x0  }
0x180: {  	[sflag:s16] =	ssyncadd.s32 $0xFFFFFF00  }
0x181: {  	_ =	sfence.sel $0x180000  }
0x182: {  	[bflag:$0x0] =	sbarrier.arrive $0xFFFF  }
0x183: {  	p0 =	sne.s32 s1, $0x0;
	_ =	strace $0x90000047  }
0x184: {  	s0 =	sadd.s32 @!p0 $0x100000, s0;
	[bflag:$0x2] =	sbarrier.arrive $0xFFFF  }
0x185: {  	[sflag:s0] =	ssyncadd.tile.s32 @!p0 $0x1;
	_ =	shalt  }
.Lfunc_end2:
_tile_overlayer_lowered:
.L_overlay_start_2:
0x186: {  	(tag) =	ssettag $0x2  }
0x187: {  	s0 =	rddreg [dreg:$0x0];
	s2 =	stileid.u32  }
0x188: {  	s1 =	rddreg [dreg:$0x1];
	p0 =	sne.s32 s2, $0x0  }
0x189: {  	s3 =	rddreg [dreg:$0x2];
	[bflag:$0x3] =	sbarrier.arrive $0xFFFF;
	s2 =	simm.s32 @!p0 $0x1C03  }
0x18a: {  	[timem:s3], [sflag:s2] =	dma.local @!p0 [hbm:s0], s1  }
0x18b: {  	s0 =	simm.s32 @!p0 $0x3  }
0x18c: {  	_ =	swait.ge @!p0 [sflag:s0], s1  }
0x18d: {  	s1 =	ssub.s32 @!p0 $0x0, s1;
	[sflag:s0] =	ssyncset.done @!p0 $0x0  }
0x18e: {  	[sflag:s0] =	ssyncadd.s32 @!p0 s1  }
0x18f: {  	[bflag:$0x3] =	sbarrier.arrive $0xFFFF  }
0x190: {  	_ =	shalt  }

</sc_bundles>
